<compile_context>
chip_gen: v7x
topology: tpu7x:2x2x1
jax: 0.10.2.dev20260603
libtpu: 0.0.44.dev20260713+nightly
codegen_flags: <defaults>
</compile_context>

<pallas_src>
import functools

import jax
import jax.numpy as jnp
from jax import lax
from jax.experimental import pallas as pl
from jax.experimental.pallas import tpu as pltpu
from jax.experimental.pallas import tpu_sc as plsc

S = 2048
D = 1024
FF = 512
E = 64
BM = 64
R = 6144
G = 96
TB = 256
NTILES = 32


def _router_body(x_ref, wr_ref, moe_ref, ids_ref, rank_ref, cnt_ref, acc):
    pid = pl.program_id(0)
    x = x_ref[...]
    logits = jnp.dot(x, wr_ref[...], preferred_element_type=jnp.float32)
    m = jnp.max(logits, axis=1, keepdims=True)
    lane = lax.broadcasted_iota(jnp.int32, (TB, E), 1)
    ids = jnp.min(jnp.where(logits == m, lane, E), axis=1, keepdims=True)
    moe_ref[...] = x * jax.nn.sigmoid(m)
    ids_ref[...] = ids
    onehot = (ids == lane).astype(jnp.float32)
    r = lax.broadcasted_iota(jnp.int32, (TB, TB), 0)
    c = lax.broadcasted_iota(jnp.int32, (TB, TB), 1)
    tri = (r >= c).astype(jnp.float32)
    csum = jnp.dot(tri, onehot, preferred_element_type=jnp.float32)

    @pl.when(pid == 0)
    def _():
        acc[...] = jnp.zeros_like(acc)

    base = acc[...]
    rank = jnp.sum(onehot * (csum - 1.0 + base), axis=1, keepdims=True)
    rank_ref[...] = rank.astype(jnp.int32)
    total = base + csum[TB - 1:TB, :]
    acc[...] = total
    cnt_ref[...] = total.astype(jnp.int32)


def _router(x, Wr):
    return pl.pallas_call(
        _router_body,
        grid=(S // TB,),
        in_specs=[
            pl.BlockSpec((TB, D), lambda i: (i, 0)),
            pl.BlockSpec((D, E), lambda i: (0, 0)),
        ],
        out_specs=[
            pl.BlockSpec((TB, D), lambda i: (i, 0)),
            pl.BlockSpec((TB, 1), lambda i: (i, 0)),
            pl.BlockSpec((TB, 1), lambda i: (i, 0)),
            pl.BlockSpec((1, E), lambda i: (0, 0)),
        ],
        out_shape=[
            jax.ShapeDtypeStruct((S, D), jnp.float32),
            jax.ShapeDtypeStruct((S, 1), jnp.int32),
            jax.ShapeDtypeStruct((S, 1), jnp.int32),
            jax.ShapeDtypeStruct((1, E), jnp.int32),
        ],
        scratch_shapes=[pltpu.VMEM((1, E), jnp.float32)],
    )(x, Wr)


def _meta_body(ids_ref, rank_ref, cnt_ref, pos_ref, brow_ref, bexp_ref):
    counts = cnt_ref[...].astype(jnp.float32)
    padded = jnp.ceil(counts / BM) * BM
    rr = lax.broadcasted_iota(jnp.int32, (E, E), 0)
    cc = lax.broadcasted_iota(jnp.int32, (E, E), 1)
    strict_upper = (rr < cc).astype(jnp.float32)
    offs = jnp.dot(padded, strict_upper,
                   preferred_element_type=jnp.float32)
    total = jnp.sum(padded)

    ids = ids_ref[...]
    lane = lax.broadcasted_iota(jnp.int32, (S, E), 1)
    onehot = ids == lane
    myoff = jnp.sum(jnp.where(onehot, jnp.broadcast_to(offs, (S, E)), 0.0),
                    axis=1, keepdims=True)
    pos_ref[...] = myoff.astype(jnp.int32) + rank_ref[...]

    gi = lax.broadcasted_iota(jnp.int32, (G, 1), 0)
    used = (total / BM).astype(jnp.int32)
    brow = jnp.minimum(gi, used - 1)
    brow_ref[...] = brow
    rowstart = (brow * BM).astype(jnp.float32)
    cmp = jnp.broadcast_to(offs, (G, E)) <= rowstart
    bexp = jnp.sum(cmp.astype(jnp.int32), axis=1, keepdims=True) - 1
    bexp_ref[...] = jnp.clip(bexp, 0, E - 1)


def _meta(ids, rank, counts):
    return pl.pallas_call(
        _meta_body,
        out_shape=[
            jax.ShapeDtypeStruct((S, 1), jnp.int32),
            jax.ShapeDtypeStruct((G, 1), jnp.int32),
            jax.ShapeDtypeStruct((G, 1), jnp.int32),
        ],
    )(ids, rank, counts)


def _dispatch(pos, moe_x):
    rows_per_tile = S // NTILES
    mesh = plsc.VectorSubcoreMesh(core_axis_name="c", subcore_axis_name="s")

    @functools.partial(
        pl.kernel, mesh=mesh,
        out_type=jax.ShapeDtypeStruct((R, D), jnp.float32),
        scratch_types=[
            pltpu.VMEM((rows_per_tile,), jnp.int32),
            pltpu.VMEM((rows_per_tile, D), jnp.float32),
            pltpu.SemaphoreType.DMA,
        ])
    def k(pos_hbm, mx_hbm, xs_hbm, cidx_v, rows_v, sem):
        wid = lax.axis_index("s") * 2 + lax.axis_index("c")
        base = wid * rows_per_tile
        pltpu.sync_copy(pos_hbm.at[pl.ds(base, rows_per_tile)], cidx_v)
        pltpu.sync_copy(mx_hbm.at[pl.ds(base, rows_per_tile)], rows_v)
        pltpu.async_copy(rows_v, xs_hbm.at[cidx_v], sem).wait()

    return k(pos, moe_x)


def _ffn_body(brow_ref, bexp_ref, x_ref, wgu_ref, wdn_ref, out_ref):
    del bexp_ref
    gi = pl.program_id(0)

    @pl.when(brow_ref[gi] == gi)
    def _():
        xb = x_ref[...]
        gu = jnp.dot(xb, wgu_ref[0], preferred_element_type=jnp.float32)
        g = gu[:, :FF]
        u = gu[:, FF:]
        act = g * jax.nn.sigmoid(g) * u
        out_ref[...] = jnp.dot(act, wdn_ref[0],
                               preferred_element_type=jnp.float32)


def _ffn(x_sorted, Wgu_e, Wdn_e, brow, bexp):
    grid_spec = pltpu.PrefetchScalarGridSpec(
        num_scalar_prefetch=2,
        grid=(G,),
        in_specs=[
            pl.BlockSpec((BM, D), lambda g, brow, bexp: (brow[g], 0)),
            pl.BlockSpec((1, D, 2 * FF), lambda g, brow, bexp: (bexp[g], 0, 0)),
            pl.BlockSpec((1, FF, D), lambda g, brow, bexp: (bexp[g], 0, 0)),
        ],
        out_specs=pl.BlockSpec((BM, D), lambda g, brow, bexp: (brow[g], 0)),
    )
    return pl.pallas_call(
        _ffn_body,
        grid_spec=grid_spec,
        out_shape=jax.ShapeDtypeStruct((R, D), jnp.float32),
    )(brow, bexp, x_sorted, Wgu_e, Wdn_e)


def _unsort(pos, out_sorted):
    rows_per_tile = S // NTILES
    mesh = plsc.VectorSubcoreMesh(core_axis_name="c", subcore_axis_name="s")

    @functools.partial(
        pl.kernel, mesh=mesh,
        out_type=jax.ShapeDtypeStruct((S, D), jnp.float32),
        scratch_types=[
            pltpu.VMEM((rows_per_tile,), jnp.int32),
            pltpu.VMEM((rows_per_tile, D), jnp.float32),
            pltpu.SemaphoreType.DMA,
        ])
    def k(pos_hbm, os_hbm, om_hbm, idx_v, rows_v, sem):
        wid = lax.axis_index("s") * 2 + lax.axis_index("c")
        base = wid * rows_per_tile
        pltpu.sync_copy(pos_hbm.at[pl.ds(base, rows_per_tile)], idx_v)
        pltpu.async_copy(os_hbm.at[idx_v], rows_v, sem).wait()
        pltpu.sync_copy(rows_v, om_hbm.at[pl.ds(base, rows_per_tile)])

    return k(pos, out_sorted)


def _shared_body(x_ref, wgu_ref, wdn_ref, moe_ref, out_ref):
    x = x_ref[...]
    gu = jnp.dot(x, wgu_ref[...], preferred_element_type=jnp.float32)
    g = gu[:, :FF]
    u = gu[:, FF:]
    act = g * jax.nn.sigmoid(g) * u
    out_ref[...] = (jnp.dot(act, wdn_ref[...], preferred_element_type=jnp.float32)
                    + moe_ref[...])


def _shared(x, Wgu_s, Wdn_s, out_moe):
    return pl.pallas_call(
        _shared_body,
        grid=(S // TB,),
        in_specs=[
            pl.BlockSpec((TB, D), lambda i: (i, 0)),
            pl.BlockSpec((D, 2 * FF), lambda i: (0, 0)),
            pl.BlockSpec((FF, D), lambda i: (0, 0)),
            pl.BlockSpec((TB, D), lambda i: (i, 0)),
        ],
        out_specs=pl.BlockSpec((TB, D), lambda i: (i, 0)),
        out_shape=jax.ShapeDtypeStruct((S, D), jnp.float32),
    )(x, Wgu_s, Wdn_s, out_moe)


def kernel(hidden_states, Wr, Wgu_e, Wdn_e, Wgu_s, Wdn_s):
    b, s, d = hidden_states.shape
    x = hidden_states.reshape(s, d)
    moe_x, ids, rank, counts = _router(x, Wr)
    pos2, brow2, bexp2 = _meta(ids, rank, counts)
    pos = pos2.reshape(s)
    brow = brow2.reshape(G)
    bexp = bexp2.reshape(G)
    x_sorted = _dispatch(pos, moe_x)
    out_sorted = _ffn(x_sorted, Wgu_e, Wdn_e, brow, bexp)
    out_moe = _unsort(pos, out_sorted)
    out = _shared(x, Wgu_s, Wdn_s, out_moe)
    return out.reshape(b, s, d)

# --- scband reference (transcript-rebuilt; emitter-appended) ---
"""Pipeline reference for scband-llama4-text-moe-29892972380385 (READ-ONLY COPY).

The authoritative reference and input builder live on the scoring server;
editing this copy changes nothing except your own understanding.
"""

import jax, jax.numpy as jnp
import numpy as np

B = 1
S = 2048
D = 1024
FF = 512
E = 64
TOP_K = 1


def _silu_and_mul(gu):
    g, u = jnp.split(gu, 2, axis=-1)
    return jax.nn.silu(g) * u


def setup_inputs(seed: int = 0) -> dict:
    key = jax.random.key(seed)
    ks = jax.random.split(key, 6)
    hidden_states = jax.random.normal(ks[0], (B, S, D), dtype=jnp.float32)
    Wr = jax.random.normal(ks[1], (D, E), dtype=jnp.float32) * 0.02
    Wgu_e = jax.random.normal(ks[2], (E, D, 2 * FF), dtype=jnp.float32) * 0.02
    Wdn_e = jax.random.normal(ks[3], (E, FF, D), dtype=jnp.float32) * 0.02
    Wgu_s = jax.random.normal(ks[4], (D, 2 * FF), dtype=jnp.float32) * 0.02
    Wdn_s = jax.random.normal(ks[5], (FF, D), dtype=jnp.float32) * 0.02
    return {"hidden_states": hidden_states, "Wr": Wr, "Wgu_e": Wgu_e,
            "Wdn_e": Wdn_e, "Wgu_s": Wgu_s, "Wdn_s": Wdn_s}


def reference(hidden_states, Wr, Wgu_e, Wdn_e, Wgu_s, Wdn_s):
    b, s, d = hidden_states.shape
    x = hidden_states.reshape(-1, d)
    # router (rowwise linear, no bias)
    router_logits = x @ Wr
    # topk over experts
    topk_w, topk_ids = jax.lax.top_k(router_logits, TOP_K)
    input_weight = jax.nn.sigmoid(topk_w.astype(jnp.float32)).astype(x.dtype)
    # scale hidden states by sigmoid(topk logit) before expert dispatch
    moe_x = (x[:, None, :] * input_weight[:, :, None]).reshape(-1, d)
    ids = topk_ids.reshape(-1)

    # fused MoE with per-row top_k=1, weight=1, renormalize=False
    def _expert(args):
        xt, eid = args
        gu = xt @ Wgu_e[eid]
        act = _silu_and_mul(gu)
        return act @ Wdn_e[eid]

    out = jax.lax.map(_expert, (moe_x, ids))
    out = out.reshape(-1, TOP_K, d).sum(axis=1)

    # shared expert MLP on original (unscaled) hidden states
    shared = _silu_and_mul(x @ Wgu_s) @ Wdn_s
    out = out + shared
    return out.reshape(b, s, -1)

if __name__ == "__main__":
    import jax
    _d = setup_inputs()
    print(jax.jit(kernel)(*tuple(_d.values())))

</pallas_src>

<mosaic_0001>
#map = affine_map<(d0, d1) -> (0)>
#map1 = affine_map<(d0, d1) -> (0, 0)>
module attributes {stable_mosaic.version = 14 : i64} {
  func.func @k(%arg0: i32, %arg1: i32, %arg2: memref<2048xi32, #tpu.memory_space<hbm>>, %arg3: memref<2048x1024xf32, #tpu.memory_space<hbm>>, %arg4: memref<6144x1024xf32, #tpu.memory_space<hbm>>, %arg5: memref<64xi32, #tpu.memory_space<vmem>>, %arg6: memref<64x1024xf32, #tpu.memory_space<vmem>>, %arg7: memref<!tpu.dma_semaphore, #tpu.memory_space<semaphore_mem>>) attributes {dimension_semantics = [#tpu.dimension_semantics<core_parallel>, #tpu.dimension_semantics<subcore_parallel>], iteration_bounds = array<i64: 2, 16>, scalar_prefetch = 0 : i64, scratch_operands = 3 : i64, tpu.core_type = #tpu.core_type<sc_vector_subcore>, window_params = [{transform_indices = #map}, {transform_indices = #map1}, {transform_indices = #map1}]} {
    %mul3A = arith.constant 2 : i32
    %mul3A_0 = arith.muli %arg1, %mul3A : i32
    %add3A = arith.addi %mul3A_0, %arg0 : i32
    %mul3A_1 = arith.constant 64 : i32
    %mul3A_2 = arith.muli %add3A, %mul3A_1 : i32
    "tpu.region"() ({
      %run_scoped3A = tpu.sem_alloc : memref<!tpu.dma_semaphore, #tpu.memory_space<semaphore_mem>>
      %dma_start3A_7 = tpu.memref_slice %arg2[%mul3A_2] : memref<2048xi32, #tpu.memory_space<hbm>> -> memref<64xi32, #tpu.memory_space<hbm>>
      %dma_start3A_8 = tpu.memref_slice %arg2[%mul3A_2] : memref<2048xi32, #tpu.memory_space<hbm>> -> memref<64xi32, #tpu.memory_space<hbm>>
      tpu.enqueue_dma source(%dma_start3A_8 : memref<64xi32, #tpu.memory_space<hbm>>) target(%arg5 : memref<64xi32, #tpu.memory_space<vmem>>) target_semaphore(%run_scoped3A : memref<!tpu.dma_semaphore, #tpu.memory_space<semaphore_mem>>)
      %dma_wait3A_9 = tpu.memref_slice %arg2[%mul3A_2] : memref<2048xi32, #tpu.memory_space<hbm>> -> memref<64xi32, #tpu.memory_space<hbm>>
      %dma_wait3A_10 = tpu.memref_slice %arg2[%mul3A_2] : memref<2048xi32, #tpu.memory_space<hbm>> -> memref<64xi32, #tpu.memory_space<hbm>>
      tpu.wait_dma2 semaphore(%run_scoped3A : memref<!tpu.dma_semaphore, #tpu.memory_space<semaphore_mem>>) src(%dma_wait3A_10 : memref<64xi32, #tpu.memory_space<hbm>>) dst(%arg5 : memref<64xi32, #tpu.memory_space<vmem>>)
      tpu.yield
    }) : () -> ()
    "tpu.region"() ({
      %run_scoped3A = tpu.sem_alloc : memref<!tpu.dma_semaphore, #tpu.memory_space<semaphore_mem>>
      %dma_start3A_7 = arith.constant 0 : i32
      %dma_start3A_8 = tpu.memref_slice %arg3[%mul3A_2, %dma_start3A_7] : memref<2048x1024xf32, #tpu.memory_space<hbm>> -> memref<64x1024xf32, #tpu.memory_space<hbm>>
      %dma_start3A_9 = arith.constant 0 : i32
      %dma_start3A_10 = tpu.memref_slice %arg3[%mul3A_2, %dma_start3A_9] : memref<2048x1024xf32, #tpu.memory_space<hbm>> -> memref<64x1024xf32, #tpu.memory_space<hbm>>
      tpu.enqueue_dma source(%dma_start3A_10 : memref<64x1024xf32, #tpu.memory_space<hbm>>) target(%arg6 : memref<64x1024xf32, #tpu.memory_space<vmem>>) target_semaphore(%run_scoped3A : memref<!tpu.dma_semaphore, #tpu.memory_space<semaphore_mem>>)
      %dma_wait3A_11 = arith.constant 0 : i32
      %dma_wait3A_12 = tpu.memref_slice %arg3[%mul3A_2, %dma_wait3A_11] : memref<2048x1024xf32, #tpu.memory_space<hbm>> -> memref<64x1024xf32, #tpu.memory_space<hbm>>
      %dma_wait3A_13 = arith.constant 0 : i32
      %dma_wait3A_14 = tpu.memref_slice %arg3[%mul3A_2, %dma_wait3A_13] : memref<2048x1024xf32, #tpu.memory_space<hbm>> -> memref<64x1024xf32, #tpu.memory_space<hbm>>
      tpu.wait_dma2 semaphore(%run_scoped3A : memref<!tpu.dma_semaphore, #tpu.memory_space<semaphore_mem>>) src(%dma_wait3A_14 : memref<64x1024xf32, #tpu.memory_space<hbm>>) dst(%arg6 : memref<64x1024xf32, #tpu.memory_space<vmem>>)
      tpu.yield
    }) : () -> ()
    %dma_start3A = arith.constant 0 : i32
    %dma_start3A_3 = arith.constant 0 : i32
    %dma_start3A_4 = tpu.memref_slice %arg4[%dma_start3A, %dma_start3A_3] : memref<6144x1024xf32, #tpu.memory_space<hbm>> -> memref<6144x1024xf32, #tpu.memory_space<hbm>>
    tpu.enqueue_indirect_dma source(%arg6 : memref<64x1024xf32, #tpu.memory_space<vmem>>) target(%dma_start3A_4 : memref<6144x1024xf32, #tpu.memory_space<hbm>>) offsets(%arg5 : memref<64xi32, #tpu.memory_space<vmem>>) semaphore(%arg7 : memref<!tpu.dma_semaphore, #tpu.memory_space<semaphore_mem>>)
    %dma_wait3A = arith.constant 0 : i32
    %dma_wait3A_5 = arith.constant 0 : i32
    %dma_wait3A_6 = tpu.memref_slice %arg4[%dma_wait3A, %dma_wait3A_5] : memref<6144x1024xf32, #tpu.memory_space<hbm>> -> memref<6144x1024xf32, #tpu.memory_space<hbm>>
    tpu.wait_indirect_dma semaphore(%arg7 : memref<!tpu.dma_semaphore, #tpu.memory_space<semaphore_mem>>) src(%arg6 : memref<64x1024xf32, #tpu.memory_space<vmem>>) dst(%dma_wait3A_6 : memref<6144x1024xf32, #tpu.memory_space<hbm>>)
    return
  }
}

#map = affine_map<(d0, d1) -> (0)>
#map1 = affine_map<(d0, d1) -> (0, 0)>
module attributes {stable_mosaic.version = 14 : i64} {
  func.func @k(%arg0: i32, %arg1: i32, %arg2: memref<2048xi32, #tpu.memory_space<hbm>>, %arg3: memref<6144x1024xf32, #tpu.memory_space<hbm>>, %arg4: memref<2048x1024xf32, #tpu.memory_space<hbm>>, %arg5: memref<64xi32, #tpu.memory_space<vmem>>, %arg6: memref<64x1024xf32, #tpu.memory_space<vmem>>, %arg7: memref<!tpu.dma_semaphore, #tpu.memory_space<semaphore_mem>>) attributes {dimension_semantics = [#tpu.dimension_semantics<core_parallel>, #tpu.dimension_semantics<subcore_parallel>], iteration_bounds = array<i64: 2, 16>, scalar_prefetch = 0 : i64, scratch_operands = 3 : i64, tpu.core_type = #tpu.core_type<sc_vector_subcore>, window_params = [{transform_indices = #map}, {transform_indices = #map1}, {transform_indices = #map1}]} {
    %mul3A = arith.constant 2 : i32
    %mul3A_0 = arith.muli %arg1, %mul3A : i32
    %add3A = arith.addi %mul3A_0, %arg0 : i32
    %mul3A_1 = arith.constant 64 : i32
    %mul3A_2 = arith.muli %add3A, %mul3A_1 : i32
    "tpu.region"() ({
      %run_scoped3A = tpu.sem_alloc : memref<!tpu.dma_semaphore, #tpu.memory_space<semaphore_mem>>
      %dma_start3A_7 = tpu.memref_slice %arg2[%mul3A_2] : memref<2048xi32, #tpu.memory_space<hbm>> -> memref<64xi32, #tpu.memory_space<hbm>>
      %dma_start3A_8 = tpu.memref_slice %arg2[%mul3A_2] : memref<2048xi32, #tpu.memory_space<hbm>> -> memref<64xi32, #tpu.memory_space<hbm>>
      tpu.enqueue_dma source(%dma_start3A_8 : memref<64xi32, #tpu.memory_space<hbm>>) target(%arg5 : memref<64xi32, #tpu.memory_space<vmem>>) target_semaphore(%run_scoped3A : memref<!tpu.dma_semaphore, #tpu.memory_space<semaphore_mem>>)
      %dma_wait3A_9 = tpu.memref_slice %arg2[%mul3A_2] : memref<2048xi32, #tpu.memory_space<hbm>> -> memref<64xi32, #tpu.memory_space<hbm>>
      %dma_wait3A_10 = tpu.memref_slice %arg2[%mul3A_2] : memref<2048xi32, #tpu.memory_space<hbm>> -> memref<64xi32, #tpu.memory_space<hbm>>
      tpu.wait_dma2 semaphore(%run_scoped3A : memref<!tpu.dma_semaphore, #tpu.memory_space<semaphore_mem>>) src(%dma_wait3A_10 : memref<64xi32, #tpu.memory_space<hbm>>) dst(%arg5 : memref<64xi32, #tpu.memory_space<vmem>>)
      tpu.yield
    }) : () -> ()
    %dma_start3A = arith.constant 0 : i32
    %dma_start3A_3 = arith.constant 0 : i32
    %dma_start3A_4 = tpu.memref_slice %arg3[%dma_start3A, %dma_start3A_3] : memref<6144x1024xf32, #tpu.memory_space<hbm>> -> memref<6144x1024xf32, #tpu.memory_space<hbm>>
    tpu.enqueue_indirect_dma source(%dma_start3A_4 : memref<6144x1024xf32, #tpu.memory_space<hbm>>) target(%arg6 : memref<64x1024xf32, #tpu.memory_space<vmem>>) offsets(%arg5 : memref<64xi32, #tpu.memory_space<vmem>>) semaphore(%arg7 : memref<!tpu.dma_semaphore, #tpu.memory_space<semaphore_mem>>)
    %dma_wait3A = arith.constant 0 : i32
    %dma_wait3A_5 = arith.constant 0 : i32
    %dma_wait3A_6 = tpu.memref_slice %arg3[%dma_wait3A, %dma_wait3A_5] : memref<6144x1024xf32, #tpu.memory_space<hbm>> -> memref<6144x1024xf32, #tpu.memory_space<hbm>>
    tpu.wait_indirect_dma semaphore(%arg7 : memref<!tpu.dma_semaphore, #tpu.memory_space<semaphore_mem>>) src(%dma_wait3A_6 : memref<6144x1024xf32, #tpu.memory_space<hbm>>) dst(%arg6 : memref<64x1024xf32, #tpu.memory_space<vmem>>)
    "tpu.region"() ({
      %run_scoped3A = tpu.sem_alloc : memref<!tpu.dma_semaphore, #tpu.memory_space<semaphore_mem>>
      %dma_start3A_7 = arith.constant 0 : i32
      %dma_start3A_8 = tpu.memref_slice %arg4[%mul3A_2, %dma_start3A_7] : memref<2048x1024xf32, #tpu.memory_space<hbm>> -> memref<64x1024xf32, #tpu.memory_space<hbm>>
      %dma_start3A_9 = arith.constant 0 : i32
      %dma_start3A_10 = tpu.memref_slice %arg4[%mul3A_2, %dma_start3A_9] : memref<2048x1024xf32, #tpu.memory_space<hbm>> -> memref<64x1024xf32, #tpu.memory_space<hbm>>
      tpu.enqueue_dma source(%arg6 : memref<64x1024xf32, #tpu.memory_space<vmem>>) target(%dma_start3A_10 : memref<64x1024xf32, #tpu.memory_space<hbm>>) target_semaphore(%run_scoped3A : memref<!tpu.dma_semaphore, #tpu.memory_space<semaphore_mem>>)
      %dma_wait3A_11 = arith.constant 0 : i32
      %dma_wait3A_12 = tpu.memref_slice %arg4[%mul3A_2, %dma_wait3A_11] : memref<2048x1024xf32, #tpu.memory_space<hbm>> -> memref<64x1024xf32, #tpu.memory_space<hbm>>
      %dma_wait3A_13 = arith.constant 0 : i32
      %dma_wait3A_14 = tpu.memref_slice %arg4[%mul3A_2, %dma_wait3A_13] : memref<2048x1024xf32, #tpu.memory_space<hbm>> -> memref<64x1024xf32, #tpu.memory_space<hbm>>
      tpu.wait_dma2 semaphore(%run_scoped3A : memref<!tpu.dma_semaphore, #tpu.memory_space<semaphore_mem>>) src(%arg6 : memref<64x1024xf32, #tpu.memory_space<vmem>>) dst(%dma_wait3A_14 : memref<64x1024xf32, #tpu.memory_space<hbm>>)
      tpu.yield
    }) : () -> ()
    return
  }
}

module attributes {stable_mosaic.version = 14 : i64} {
  func.func @_router_body(%arg0: i32, %arg1: memref<256x1024xf32, #tpu.memory_space<vmem>>, %arg2: memref<1024x64xf32, #tpu.memory_space<vmem>>, %arg3: memref<256x1024xf32, #tpu.memory_space<vmem>>, %arg4: memref<256x1xi32, #tpu.memory_space<vmem>>, %arg5: memref<256x1xi32, #tpu.memory_space<vmem>>, %arg6: memref<1x64xi32, #tpu.memory_space<vmem>>, %arg7: memref<1x64xf32, #tpu.memory_space<vmem>>) attributes {dimension_semantics = [#tpu.dimension_semantics<arbitrary>], iteration_bounds = array<i64: 8>, scalar_prefetch = 0 : i64, scratch_operands = 1 : i64, tpu.core_type = #tpu.core_type<tc>, window_params = [{transform_indices = @transform_0, window_bounds = array<i64: 256, 1024>}, {pipeline_mode = #tpu.pipeline_mode<synchronous>, transform_indices = @transform_1, window_bounds = array<i64: 1024, 64>}, {transform_indices = @transform_2, window_bounds = array<i64: 256, 1024>}, {transform_indices = @transform_3, window_bounds = array<i64: 256, 1>}, {transform_indices = @transform_4, window_bounds = array<i64: 256, 1>}, {pipeline_mode = #tpu.pipeline_mode<synchronous>, transform_indices = @transform_5, window_bounds = array<i64: 1, 64>}]} {
    %get3A = arith.constant 0 : index
    %get3A_0 = arith.constant 0 : index
    %get3A_1 = vector.load %arg1[%get3A, %get3A_0] : memref<256x1024xf32, #tpu.memory_space<vmem>>, vector<256x1024xf32>
    %get3A_2 = arith.constant 0 : index
    %get3A_3 = arith.constant 0 : index
    %get3A_4 = vector.load %arg2[%get3A_2, %get3A_3] : memref<1024x64xf32, #tpu.memory_space<vmem>>, vector<1024x64xf32>
    %dot_general3A = arith.constant dense<0.000000e+00> : vector<256x64xf32>
    %dot_general3A_5 = tpu.matmul %get3A_1, %get3A_4, %dot_general3A {dimension_numbers = #tpu.dot_dimension_numbers<[1], [0], [0], [1], [0, 0, 1, 1], [], []>, transpose_lhs_hint = false} : vector<256x1024xf32>, vector<1024x64xf32>, vector<256x64xf32> -> vector<256x64xf32>
    %reduce_max3A = arith.constant dense<0xFF800000> : vector<256xf32>
    %reduce_max3A_6 = vector.multi_reduction <maximumf>, %dot_general3A_5, %reduce_max3A [1] : vector<256x64xf32> to vector<256xf32>
    %broadcast_in_dim3A = vector.shape_cast %reduce_max3A_6 : vector<256xf32> to vector<256x1xf32>
    %iota3A = tpu.iota {dimensions = array<i32: 1>} : vector<256x64xi32>
    %eq3A = vector.broadcast %broadcast_in_dim3A : vector<256x1xf32> to vector<256x64xf32>
    %eq3A_7 = arith.cmpf oeq, %dot_general3A_5, %eq3A : vector<256x64xf32>
    %jit3A = arith.constant 64 : i32
    %broadcast_in_dim3A_8 = vector.broadcast %jit3A : i32 to vector<256x64xi32>
    %select_n3A = arith.select %eq3A_7, %iota3A, %broadcast_in_dim3A_8 : vector<256x64xi1>, vector<256x64xi32>
    %reduce_min3A = arith.constant dense<2147483647> : vector<256xi32>
    %reduce_min3A_9 = vector.multi_reduction <minsi>, %select_n3A, %reduce_min3A [1] : vector<256x64xi32> to vector<256xi32>
    %broadcast_in_dim3A_10 = vector.shape_cast %reduce_min3A_9 : vector<256xi32> to vector<256x1xi32>
    %logistic3A = arith.negf %broadcast_in_dim3A : vector<256x1xf32>
    %logistic3A_11 = math.exp %logistic3A : vector<256x1xf32>
    %logistic3A_12 = arith.constant 1.000000e+00 : f32
    %logistic3A_13 = vector.broadcast %logistic3A_12 : f32 to vector<256x1xf32>
    %logistic3A_14 = arith.addf %logistic3A_13, %logistic3A_11 : vector<256x1xf32>
    %logistic3A_15 = arith.divf %logistic3A_13, %logistic3A_14 : vector<256x1xf32>
    %mul3A = vector.broadcast %logistic3A_15 : vector<256x1xf32> to vector<256x1024xf32>
    %mul3A_16 = arith.mulf %get3A_1, %mul3A : vector<256x1024xf32>
    %swap3A = arith.constant 0 : index
    %swap3A_17 = arith.constant 0 : index
    %swap3A_18 = vector.load %arg3[%swap3A, %swap3A_17] : memref<256x1024xf32, #tpu.memory_space<vmem>>, vector<256x1024xf32>
    tpu.vector_store %arg3[%swap3A, %swap3A_17], %mul3A_16 {strides = array<i32>} : memref<256x1024xf32, #tpu.memory_space<vmem>>, vector<256x1024xf32>,
    %swap3A_19 = arith.constant 0 : index
    %swap3A_20 = arith.constant 0 : index
    %swap3A_21 = vector.load %arg4[%swap3A_19, %swap3A_20] : memref<256x1xi32, #tpu.memory_space<vmem>>, vector<256x1xi32>
    tpu.vector_store %arg4[%swap3A_19, %swap3A_20], %broadcast_in_dim3A_10 {strides = array<i32>} : memref<256x1xi32, #tpu.memory_space<vmem>>, vector<256x1xi32>,
    %eq3A_22 = vector.broadcast %broadcast_in_dim3A_10 : vector<256x1xi32> to vector<256x64xi32>
    %eq3A_23 = arith.cmpi eq, %eq3A_22, %iota3A : vector<256x64xi32>
    %convert_element_type3A = arith.extui %eq3A_23 : vector<256x64xi1> to vector<256x64xi32>
    %convert_element_type3A_24 = arith.sitofp %convert_element_type3A : vector<256x64xi32> to vector<256x64xf32>
    %iota3A_25 = tpu.iota {dimensions = array<i32: 0>} : vector<256x256xi32>
    %iota3A_26 = tpu.iota {dimensions = array<i32: 1>} : vector<256x256xi32>
    %ge3A = arith.cmpi sge, %iota3A_25, %iota3A_26 : vector<256x256xi32>
    %convert_element_type3A_27 = arith.extui %ge3A : vector<256x256xi1> to vector<256x256xi32>
    %convert_element_type3A_28 = arith.sitofp %convert_element_type3A_27 : vector<256x256xi32> to vector<256x256xf32>
    %dot_general3A_29 = arith.constant dense<0.000000e+00> : vector<256x64xf32>
    %dot_general3A_30 = tpu.matmul %convert_element_type3A_28, %convert_element_type3A_24, %dot_general3A_29 {dimension_numbers = #tpu.dot_dimension_numbers<[1], [0], [0], [1], [0, 0, 1, 1], [], []>, transpose_lhs_hint = false} : vector<256x256xf32>, vector<256x64xf32>, vector<256x64xf32> -> vector<256x64xf32>
    %eq3A_31 = arith.constant 0 : i32
    %eq3A_32 = arith.cmpi eq, %arg0, %eq3A_31 : i32
    %convert_element_type3A_33 = arith.extui %eq3A_32 : i1 to i32
    %cond3A = arith.constant 0 : i32
    %cond3A_34 = arith.cmpi ne, %convert_element_type3A_33, %cond3A : i32
    scf.if %cond3A_34 {
      %broadcast_in_dim3A_56 = arith.constant 0.000000e+00 : f32
      %broadcast_in_dim3A_57 = vector.broadcast %broadcast_in_dim3A_56 : f32 to vector<1x64xf32>
      %swap3A_58 = arith.constant 0 : index
      %swap3A_59 = arith.constant 0 : index
      %swap3A_60 = vector.load %arg7[%swap3A_58, %swap3A_59] : memref<1x64xf32, #tpu.memory_space<vmem>>, vector<1x64xf32>
      tpu.vector_store %arg7[%swap3A_58, %swap3A_59], %broadcast_in_dim3A_57 {strides = array<i32>} : memref<1x64xf32, #tpu.memory_space<vmem>>, vector<1x64xf32>,
    } else {
    }
    %get3A_35 = arith.constant 0 : index
    %get3A_36 = arith.constant 0 : index
    %get3A_37 = vector.load %arg7[%get3A_35, %get3A_36] : memref<1x64xf32, #tpu.memory_space<vmem>>, vector<1x64xf32>
    %sub3A = arith.constant 1.000000e+00 : f32
    %sub3A_38 = vector.broadcast %sub3A : f32 to vector<256x64xf32>
    %sub3A_39 = arith.subf %dot_general3A_30, %sub3A_38 : vector<256x64xf32>
    %add3A = vector.broadcast %get3A_37 : vector<1x64xf32> to vector<256x64xf32>
    %add3A_40 = arith.addf %sub3A_39, %add3A : vector<256x64xf32>
    %mul3A_41 = arith.mulf %convert_element_type3A_24, %add3A_40 : vector<256x64xf32>
    %reduce_sum3A = arith.constant dense<0.000000e+00> : vector<256xf32>
    %reduce_sum3A_42 = vector.multi_reduction <add>, %mul3A_41, %reduce_sum3A [1] : vector<256x64xf32> to vector<256xf32>
    %broadcast_in_dim3A_43 = vector.shape_cast %reduce_sum3A_42 : vector<256xf32> to vector<256x1xf32>
    %convert_element_type3A_44 = arith.fptosi %broadcast_in_dim3A_43 : vector<256x1xf32> to vector<256x1xi32>
    %swap3A_45 = arith.constant 0 : index
    %swap3A_46 = arith.constant 0 : index
    %swap3A_47 = vector.load %arg5[%swap3A_45, %swap3A_46] : memref<256x1xi32, #tpu.memory_space<vmem>>, vector<256x1xi32>
    tpu.vector_store %arg5[%swap3A_45, %swap3A_46], %convert_element_type3A_44 {strides = array<i32>} : memref<256x1xi32, #tpu.memory_space<vmem>>, vector<256x1xi32>,
    %slice3A = vector.extract_strided_slice %dot_general3A_30 {offsets = [255, 0], sizes = [1, 64], strides = [1, 1]} : vector<256x64xf32> to vector<1x64xf32>
    %add3A_48 = arith.addf %get3A_37, %slice3A : vector<1x64xf32>
    %swap3A_49 = arith.constant 0 : index
    %swap3A_50 = arith.constant 0 : index
    %swap3A_51 = vector.load %arg7[%swap3A_49, %swap3A_50] : memref<1x64xf32, #tpu.memory_space<vmem>>, vector<1x64xf32>
    tpu.vector_store %arg7[%swap3A_49, %swap3A_50], %add3A_48 {strides = array<i32>} : memref<1x64xf32, #tpu.memory_space<vmem>>, vector<1x64xf32>,
    %convert_element_type3A_52 = arith.fptosi %add3A_48 : vector<1x64xf32> to vector<1x64xi32>
    %swap3A_53 = arith.constant 0 : index
    %swap3A_54 = arith.constant 0 : index
    %swap3A_55 = vector.load %arg6[%swap3A_53, %swap3A_54] : memref<1x64xi32, #tpu.memory_space<vmem>>, vector<1x64xi32>
    tpu.vector_store %arg6[%swap3A_53, %swap3A_54], %convert_element_type3A_52 {strides = array<i32>} : memref<1x64xi32, #tpu.memory_space<vmem>>, vector<1x64xi32>,
    return
  }
  func.func @transform_0(%arg0: i32) -> (i32, i32) {
    %c0_i32 = arith.constant 0 : i32
    %c0_i32_0 = arith.constant 0 : i32
    return %arg0, %c0_i32 : i32, i32
  }
  func.func @transform_1(%arg0: i32) -> (i32, i32) {
    %c0_i32 = arith.constant 0 : i32
    %c0_i32_0 = arith.constant 0 : i32
    %c0_i32_1 = arith.constant 0 : i32
    return %c0_i32, %c0_i32_0 : i32, i32
  }
  func.func @transform_2(%arg0: i32) -> (i32, i32) {
    %c0_i32 = arith.constant 0 : i32
    %c0_i32_0 = arith.constant 0 : i32
    return %arg0, %c0_i32 : i32, i32
  }
  func.func @transform_3(%arg0: i32) -> (i32, i32) {
    %c0_i32 = arith.constant 0 : i32
    %c0_i32_0 = arith.constant 0 : i32
    return %arg0, %c0_i32 : i32, i32
  }
  func.func @transform_4(%arg0: i32) -> (i32, i32) {
    %c0_i32 = arith.constant 0 : i32
    %c0_i32_0 = arith.constant 0 : i32
    return %arg0, %c0_i32 : i32, i32
  }
  func.func @transform_5(%arg0: i32) -> (i32, i32) {
    %c0_i32 = arith.constant 0 : i32
    %c0_i32_0 = arith.constant 0 : i32
    %c0_i32_1 = arith.constant 0 : i32
    return %c0_i32, %c0_i32_0 : i32, i32
  }
}

module attributes {stable_mosaic.version = 14 : i64} {
  func.func @_meta_body(%arg0: memref<2048x1xi32, #tpu.memory_space<vmem>>, %arg1: memref<2048x1xi32, #tpu.memory_space<vmem>>, %arg2: memref<1x64xi32, #tpu.memory_space<vmem>>, %arg3: memref<2048x1xi32, #tpu.memory_space<vmem>>, %arg4: memref<96x1xi32, #tpu.memory_space<vmem>>, %arg5: memref<96x1xi32, #tpu.memory_space<vmem>>) attributes {dimension_semantics = [], scalar_prefetch = 0 : i64, scratch_operands = 0 : i64, tpu.core_type = #tpu.core_type<tc>} {
    %get3A = arith.constant 0 : index
    %get3A_0 = arith.constant 0 : index
    %get3A_1 = vector.load %arg2[%get3A, %get3A_0] : memref<1x64xi32, #tpu.memory_space<vmem>>, vector<1x64xi32>
    %convert_element_type3A = arith.sitofp %get3A_1 : vector<1x64xi32> to vector<1x64xf32>
    %div3A = arith.constant 6.400000e+01 : f32
    %div3A_2 = vector.broadcast %div3A : f32 to vector<1x64xf32>
    %div3A_3 = arith.divf %convert_element_type3A, %div3A_2 : vector<1x64xf32>
    %ceil3A = math.ceil %div3A_3 : vector<1x64xf32>
    %mul3A = arith.constant 6.400000e+01 : f32
    %mul3A_4 = vector.broadcast %mul3A : f32 to vector<1x64xf32>
    %mul3A_5 = arith.mulf %ceil3A, %mul3A_4 : vector<1x64xf32>
    %iota3A = tpu.iota {dimensions = array<i32: 0>} : vector<64x64xi32>
    %iota3A_6 = tpu.iota {dimensions = array<i32: 1>} : vector<64x64xi32>
    %lt3A = arith.cmpi slt, %iota3A, %iota3A_6 : vector<64x64xi32>
    %convert_element_type3A_7 = arith.extui %lt3A : vector<64x64xi1> to vector<64x64xi32>
    %convert_element_type3A_8 = arith.sitofp %convert_element_type3A_7 : vector<64x64xi32> to vector<64x64xf32>
    %dot_general3A = arith.constant dense<0.000000e+00> : vector<1x64xf32>
    %dot_general3A_9 = tpu.matmul %mul3A_5, %convert_element_type3A_8, %dot_general3A {dimension_numbers = #tpu.dot_dimension_numbers<[1], [0], [0], [1], [0, 0, 1, 1], [], []>, transpose_lhs_hint = false} : vector<1x64xf32>, vector<64x64xf32>, vector<1x64xf32> -> vector<1x64xf32>
    %reduce_sum3A = vector.shape_cast %mul3A_5 : vector<1x64xf32> to vector<1x1x64xf32>
    %reduce_sum3A_10 = arith.constant dense<0.000000e+00> : vector<1xf32>
    %reduce_sum3A_11 = vector.multi_reduction <add>, %reduce_sum3A, %reduce_sum3A_10 [1, 2] : vector<1x1x64xf32> to vector<1xf32>
    %reduce_sum3A_12 = vector.shape_cast %reduce_sum3A_11 : vector<1xf32> to vector<1x1x1xf32>
    %reduce_sum3A_13 = vector.extract %reduce_sum3A_12[0, 0, 0] : f32 from vector<1x1x1xf32>
    %get3A_14 = arith.constant 0 : index
    %get3A_15 = arith.constant 0 : index
    %get3A_16 = vector.load %arg0[%get3A_14, %get3A_15] : memref<2048x1xi32, #tpu.memory_space<vmem>>, vector<2048x1xi32>
    %iota3A_17 = tpu.iota {dimensions = array<i32: 1>} : vector<2048x64xi32>
    %eq3A = vector.broadcast %get3A_16 : vector<2048x1xi32> to vector<2048x64xi32>
    %eq3A_18 = arith.cmpi eq, %eq3A, %iota3A_17 : vector<2048x64xi32>
    %broadcast_in_dim3A = vector.shape_cast %dot_general3A_9 : vector<1x64xf32> to vector<1x64xf32>
    %broadcast_in_dim3A_19 = vector.broadcast %broadcast_in_dim3A : vector<1x64xf32> to vector<2048x64xf32>
    %jit3A = arith.constant 0.000000e+00 : f32
    %broadcast_in_dim3A_20 = vector.broadcast %jit3A : f32 to vector<2048x64xf32>
    %select_n3A = arith.select %eq3A_18, %broadcast_in_dim3A_19, %broadcast_in_dim3A_20 : vector<2048x64xi1>, vector<2048x64xf32>
    %reduce_sum3A_21 = arith.constant dense<0.000000e+00> : vector<2048xf32>
    %reduce_sum3A_22 = vector.multi_reduction <add>, %select_n3A, %reduce_sum3A_21 [1] : vector<2048x64xf32> to vector<2048xf32>
    %broadcast_in_dim3A_23 = vector.shape_cast %reduce_sum3A_22 : vector<2048xf32> to vector<2048x1xf32>
    %convert_element_type3A_24 = arith.fptosi %broadcast_in_dim3A_23 : vector<2048x1xf32> to vector<2048x1xi32>
    %get3A_25 = arith.constant 0 : index
    %get3A_26 = arith.constant 0 : index
    %get3A_27 = vector.load %arg1[%get3A_25, %get3A_26] : memref<2048x1xi32, #tpu.memory_space<vmem>>, vector<2048x1xi32>
    %add3A = arith.addi %convert_element_type3A_24, %get3A_27 : vector<2048x1xi32>
    %swap3A = arith.constant 0 : index
    %swap3A_28 = arith.constant 0 : index
    %swap3A_29 = vector.load %arg3[%swap3A, %swap3A_28] : memref<2048x1xi32, #tpu.memory_space<vmem>>, vector<2048x1xi32>
    tpu.vector_store %arg3[%swap3A, %swap3A_28], %add3A {strides = array<i32>} : memref<2048x1xi32, #tpu.memory_space<vmem>>, vector<2048x1xi32>,
    %iota3A_30 = tpu.iota {dimensions = array<i32: 0>} : vector<96x1xi32>
    %div3A_31 = arith.constant 6.400000e+01 : f32
    %div3A_32 = arith.divf %reduce_sum3A_13, %div3A_31 : f32
    %convert_element_type3A_33 = arith.fptosi %div3A_32 : f32 to i32
    %sub3A = arith.constant 1 : i32
    %sub3A_34 = arith.subi %convert_element_type3A_33, %sub3A : i32
    %min3A = vector.broadcast %sub3A_34 : i32 to vector<96x1xi32>
    %min3A_35 = arith.minsi %iota3A_30, %min3A : vector<96x1xi32>
    %swap3A_36 = arith.constant 0 : index
    %swap3A_37 = arith.constant 0 : index
    %swap3A_38 = vector.load %arg4[%swap3A_36, %swap3A_37] : memref<96x1xi32, #tpu.memory_space<vmem>>, vector<96x1xi32>
    tpu.vector_store %arg4[%swap3A_36, %swap3A_37], %min3A_35 {strides = array<i32>} : memref<96x1xi32, #tpu.memory_space<vmem>>, vector<96x1xi32>,
    %mul3A_39 = arith.constant 64 : i32
    %mul3A_40 = vector.broadcast %mul3A_39 : i32 to vector<96x1xi32>
    %mul3A_41 = arith.muli %min3A_35, %mul3A_40 : vector<96x1xi32>
    %convert_element_type3A_42 = arith.sitofp %mul3A_41 : vector<96x1xi32> to vector<96x1xf32>
    %broadcast_in_dim3A_43 = vector.shape_cast %dot_general3A_9 : vector<1x64xf32> to vector<1x64xf32>
    %broadcast_in_dim3A_44 = vector.broadcast %broadcast_in_dim3A_43 : vector<1x64xf32> to vector<96x64xf32>
    %le3A = vector.broadcast %convert_element_type3A_42 : vector<96x1xf32> to vector<96x64xf32>
    %le3A_45 = arith.cmpf ole, %broadcast_in_dim3A_44, %le3A : vector<96x64xf32>
    %convert_element_type3A_46 = arith.extui %le3A_45 : vector<96x64xi1> to vector<96x64xi32>
    %reduce_sum3A_47 = arith.constant dense<0> : vector<96xi32>
    %reduce_sum3A_48 = vector.multi_reduction <add>, %convert_element_type3A_46, %reduce_sum3A_47 [1] : vector<96x64xi32> to vector<96xi32>
    %broadcast_in_dim3A_49 = vector.shape_cast %reduce_sum3A_48 : vector<96xi32> to vector<96x1xi32>
    %sub3A_50 = arith.constant 1 : i32
    %sub3A_51 = vector.broadcast %sub3A_50 : i32 to vector<96x1xi32>
    %sub3A_52 = arith.subi %broadcast_in_dim3A_49, %sub3A_51 : vector<96x1xi32>
    %jit3A_53 = arith.constant 0 : i32
    %jit3A_54 = arith.constant 63 : i32
    %max3A = vector.broadcast %jit3A_53 : i32 to vector<96x1xi32>
    %max3A_55 = arith.maxsi %max3A, %sub3A_52 : vector<96x1xi32>
    %min3A_56 = vector.broadcast %jit3A_54 : i32 to vector<96x1xi32>
    %min3A_57 = arith.minsi %min3A_56, %max3A_55 : vector<96x1xi32>
    %swap3A_58 = arith.constant 0 : index
    %swap3A_59 = arith.constant 0 : index
    %swap3A_60 = vector.load %arg5[%swap3A_58, %swap3A_59] : memref<96x1xi32, #tpu.memory_space<vmem>>, vector<96x1xi32>
    tpu.vector_store %arg5[%swap3A_58, %swap3A_59], %min3A_57 {strides = array<i32>} : memref<96x1xi32, #tpu.memory_space<vmem>>, vector<96x1xi32>,
    return
  }
}

module attributes {stable_mosaic.version = 14 : i64} {
  func.func @_ffn_body(%arg0: i32, %arg1: memref<96xi32, #tpu.memory_space<smem>>, %arg2: memref<96xi32, #tpu.memory_space<smem>>, %arg3: memref<64x1024xf32, #tpu.memory_space<vmem>>, %arg4: memref<1x1024x1024xf32, #tpu.memory_space<vmem>>, %arg5: memref<1x512x1024xf32, #tpu.memory_space<vmem>>, %arg6: memref<64x1024xf32, #tpu.memory_space<vmem>>) attributes {dimension_semantics = [#tpu.dimension_semantics<arbitrary>], iteration_bounds = array<i64: 96>, scalar_prefetch = 2 : i64, scratch_operands = 0 : i64, tpu.core_type = #tpu.core_type<tc>, window_params = [{transform_indices = @transform_0, window_bounds = array<i64: 64, 1024>}, {transform_indices = @transform_1, window_bounds = array<i64: 1, 1024, 1024>}, {transform_indices = @transform_2, window_bounds = array<i64: 1, 512, 1024>}, {transform_indices = @transform_3, window_bounds = array<i64: 64, 1024>}]} {
    %get3A = arith.index_cast %arg0 : i32 to index
    %get3A_0 = memref.load %arg1[%get3A] : memref<96xi32, #tpu.memory_space<smem>>
    %eq3A = arith.cmpi eq, %get3A_0, %arg0 : i32
    %convert_element_type3A = arith.extui %eq3A : i1 to i32
    %cond3A = arith.constant 0 : i32
    %cond3A_1 = arith.cmpi ne, %convert_element_type3A, %cond3A : i32
    scf.if %cond3A_1 {
      %get3A_2 = arith.constant 0 : index
      %get3A_3 = arith.constant 0 : index
      %get3A_4 = vector.load %arg3[%get3A_2, %get3A_3] : memref<64x1024xf32, #tpu.memory_space<vmem>>, vector<64x1024xf32>
      %get3A_5 = arith.constant 0 : index
      %get3A_6 = arith.constant 0 : index
      %get3A_7 = arith.constant 0 : index
      %get3A_8 = vector.load %arg4[%get3A_5, %get3A_6, %get3A_7] : memref<1x1024x1024xf32, #tpu.memory_space<vmem>>, vector<1x1024x1024xf32>
      %get3A_9 = vector.shape_cast %get3A_8 : vector<1x1024x1024xf32> to vector<1024x1024xf32>
      %dot_general3A = arith.constant dense<0.000000e+00> : vector<64x1024xf32>
      %dot_general3A_10 = tpu.matmul %get3A_4, %get3A_9, %dot_general3A {dimension_numbers = #tpu.dot_dimension_numbers<[1], [0], [0], [1], [0, 0, 1, 1], [], []>, transpose_lhs_hint = false} : vector<64x1024xf32>, vector<1024x1024xf32>, vector<64x1024xf32> -> vector<64x1024xf32>
      %slice3A = vector.extract_strided_slice %dot_general3A_10 {offsets = [0, 0], sizes = [64, 512], strides = [1, 1]} : vector<64x1024xf32> to vector<64x512xf32>
      %slice3A_11 = vector.extract_strided_slice %dot_general3A_10 {offsets = [0, 512], sizes = [64, 512], strides = [1, 1]} : vector<64x1024xf32> to vector<64x512xf32>
      %logistic3A = arith.negf %slice3A : vector<64x512xf32>
      %logistic3A_12 = math.exp %logistic3A : vector<64x512xf32>
      %logistic3A_13 = arith.constant 1.000000e+00 : f32
      %logistic3A_14 = vector.broadcast %logistic3A_13 : f32 to vector<64x512xf32>
      %logistic3A_15 = arith.addf %logistic3A_14, %logistic3A_12 : vector<64x512xf32>
      %logistic3A_16 = arith.divf %logistic3A_14, %logistic3A_15 : vector<64x512xf32>
      %mul3A = arith.mulf %slice3A, %logistic3A_16 : vector<64x512xf32>
      %mul3A_17 = arith.mulf %mul3A, %slice3A_11 : vector<64x512xf32>
      %get3A_18 = arith.constant 0 : index
      %get3A_19 = arith.constant 0 : index
      %get3A_20 = arith.constant 0 : index
      %get3A_21 = vector.load %arg5[%get3A_18, %get3A_19, %get3A_20] : memref<1x512x1024xf32, #tpu.memory_space<vmem>>, vector<1x512x1024xf32>
      %get3A_22 = vector.shape_cast %get3A_21 : vector<1x512x1024xf32> to vector<512x1024xf32>
      %dot_general3A_23 = arith.constant dense<0.000000e+00> : vector<64x1024xf32>
      %dot_general3A_24 = tpu.matmul %mul3A_17, %get3A_22, %dot_general3A_23 {dimension_numbers = #tpu.dot_dimension_numbers<[1], [0], [0], [1], [0, 0, 1, 1], [], []>, transpose_lhs_hint = false} : vector<64x512xf32>, vector<512x1024xf32>, vector<64x1024xf32> -> vector<64x1024xf32>
      %swap3A = arith.constant 0 : index
      %swap3A_25 = arith.constant 0 : index
      %swap3A_26 = vector.load %arg6[%swap3A, %swap3A_25] : memref<64x1024xf32, #tpu.memory_space<vmem>>, vector<64x1024xf32>
      tpu.vector_store %arg6[%swap3A, %swap3A_25], %dot_general3A_24 {strides = array<i32>} : memref<64x1024xf32, #tpu.memory_space<vmem>>, vector<64x1024xf32>,
    } else {
    }
    return
  }
  func.func @transform_0(%arg0: i32, %arg1: memref<96xi32, #tpu.memory_space<smem>>, %arg2: memref<96xi32, #tpu.memory_space<smem>>) -> (i32, i32) {
    %get3A = arith.index_cast %arg0 : i32 to index
    %get3A_0 = memref.load %arg1[%get3A] : memref<96xi32, #tpu.memory_space<smem>>
    %c0_i32 = arith.constant 0 : i32
    %c0_i32_1 = arith.constant 0 : i32
    return %get3A_0, %c0_i32 : i32, i32
  }
  func.func @transform_1(%arg0: i32, %arg1: memref<96xi32, #tpu.memory_space<smem>>, %arg2: memref<96xi32, #tpu.memory_space<smem>>) -> (i32, i32, i32) {
    %get3A = arith.index_cast %arg0 : i32 to index
    %get3A_0 = memref.load %arg2[%get3A] : memref<96xi32, #tpu.memory_space<smem>>
    %c0_i32 = arith.constant 0 : i32
    %c0_i32_1 = arith.constant 0 : i32
    %c0_i32_2 = arith.constant 0 : i32
    return %get3A_0, %c0_i32, %c0_i32_1 : i32, i32, i32
  }
  func.func @transform_2(%arg0: i32, %arg1: memref<96xi32, #tpu.memory_space<smem>>, %arg2: memref<96xi32, #tpu.memory_space<smem>>) -> (i32, i32, i32) {
    %get3A = arith.index_cast %arg0 : i32 to index
    %get3A_0 = memref.load %arg2[%get3A] : memref<96xi32, #tpu.memory_space<smem>>
    %c0_i32 = arith.constant 0 : i32
    %c0_i32_1 = arith.constant 0 : i32
    %c0_i32_2 = arith.constant 0 : i32
    return %get3A_0, %c0_i32, %c0_i32_1 : i32, i32, i32
  }
  func.func @transform_3(%arg0: i32, %arg1: memref<96xi32, #tpu.memory_space<smem>>, %arg2: memref<96xi32, #tpu.memory_space<smem>>) -> (i32, i32) {
    %get3A = arith.index_cast %arg0 : i32 to index
    %get3A_0 = memref.load %arg1[%get3A] : memref<96xi32, #tpu.memory_space<smem>>
    %c0_i32 = arith.constant 0 : i32
    %c0_i32_1 = arith.constant 0 : i32
    return %get3A_0, %c0_i32 : i32, i32
  }
}

module attributes {stable_mosaic.version = 14 : i64} {
  func.func @_shared_body(%arg0: i32, %arg1: memref<256x1024xf32, #tpu.memory_space<vmem>>, %arg2: memref<1024x1024xf32, #tpu.memory_space<vmem>>, %arg3: memref<512x1024xf32, #tpu.memory_space<vmem>>, %arg4: memref<256x1024xf32, #tpu.memory_space<vmem>>, %arg5: memref<256x1024xf32, #tpu.memory_space<vmem>>) attributes {dimension_semantics = [#tpu.dimension_semantics<arbitrary>], iteration_bounds = array<i64: 8>, scalar_prefetch = 0 : i64, scratch_operands = 0 : i64, tpu.core_type = #tpu.core_type<tc>, window_params = [{transform_indices = @transform_0, window_bounds = array<i64: 256, 1024>}, {pipeline_mode = #tpu.pipeline_mode<synchronous>, transform_indices = @transform_1, window_bounds = array<i64: 1024, 1024>}, {pipeline_mode = #tpu.pipeline_mode<synchronous>, transform_indices = @transform_2, window_bounds = array<i64: 512, 1024>}, {transform_indices = @transform_3, window_bounds = array<i64: 256, 1024>}, {transform_indices = @transform_4, window_bounds = array<i64: 256, 1024>}]} {
    %get3A = arith.constant 0 : index
    %get3A_0 = arith.constant 0 : index
    %get3A_1 = vector.load %arg1[%get3A, %get3A_0] : memref<256x1024xf32, #tpu.memory_space<vmem>>, vector<256x1024xf32>
    %get3A_2 = arith.constant 0 : index
    %get3A_3 = arith.constant 0 : index
    %get3A_4 = vector.load %arg2[%get3A_2, %get3A_3] : memref<1024x1024xf32, #tpu.memory_space<vmem>>, vector<1024x1024xf32>
    %dot_general3A = arith.constant dense<0.000000e+00> : vector<256x1024xf32>
    %dot_general3A_5 = tpu.matmul %get3A_1, %get3A_4, %dot_general3A {dimension_numbers = #tpu.dot_dimension_numbers<[1], [0], [0], [1], [0, 0, 1, 1], [], []>, transpose_lhs_hint = false} : vector<256x1024xf32>, vector<1024x1024xf32>, vector<256x1024xf32> -> vector<256x1024xf32>
    %slice3A = vector.extract_strided_slice %dot_general3A_5 {offsets = [0, 0], sizes = [256, 512], strides = [1, 1]} : vector<256x1024xf32> to vector<256x512xf32>
    %slice3A_6 = vector.extract_strided_slice %dot_general3A_5 {offsets = [0, 512], sizes = [256, 512], strides = [1, 1]} : vector<256x1024xf32> to vector<256x512xf32>
    %logistic3A = arith.negf %slice3A : vector<256x512xf32>
    %logistic3A_7 = math.exp %logistic3A : vector<256x512xf32>
    %logistic3A_8 = arith.constant 1.000000e+00 : f32
    %logistic3A_9 = vector.broadcast %logistic3A_8 : f32 to vector<256x512xf32>
    %logistic3A_10 = arith.addf %logistic3A_9, %logistic3A_7 : vector<256x512xf32>
    %logistic3A_11 = arith.divf %logistic3A_9, %logistic3A_10 : vector<256x512xf32>
    %mul3A = arith.mulf %slice3A, %logistic3A_11 : vector<256x512xf32>
    %mul3A_12 = arith.mulf %mul3A, %slice3A_6 : vector<256x512xf32>
    %get3A_13 = arith.constant 0 : index
    %get3A_14 = arith.constant 0 : index
    %get3A_15 = vector.load %arg3[%get3A_13, %get3A_14] : memref<512x1024xf32, #tpu.memory_space<vmem>>, vector<512x1024xf32>
    %dot_general3A_16 = arith.constant dense<0.000000e+00> : vector<256x1024xf32>
    %dot_general3A_17 = tpu.matmul %mul3A_12, %get3A_15, %dot_general3A_16 {dimension_numbers = #tpu.dot_dimension_numbers<[1], [0], [0], [1], [0, 0, 1, 1], [], []>, transpose_lhs_hint = false} : vector<256x512xf32>, vector<512x1024xf32>, vector<256x1024xf32> -> vector<256x1024xf32>
    %get3A_18 = arith.constant 0 : index
    %get3A_19 = arith.constant 0 : index
    %get3A_20 = vector.load %arg4[%get3A_18, %get3A_19] : memref<256x1024xf32, #tpu.memory_space<vmem>>, vector<256x1024xf32>
    %add3A = arith.addf %dot_general3A_17, %get3A_20 : vector<256x1024xf32>
    %swap3A = arith.constant 0 : index
    %swap3A_21 = arith.constant 0 : index
    %swap3A_22 = vector.load %arg5[%swap3A, %swap3A_21] : memref<256x1024xf32, #tpu.memory_space<vmem>>, vector<256x1024xf32>
    tpu.vector_store %arg5[%swap3A, %swap3A_21], %add3A {strides = array<i32>} : memref<256x1024xf32, #tpu.memory_space<vmem>>, vector<256x1024xf32>,
    return
  }
  func.func @transform_0(%arg0: i32) -> (i32, i32) {
    %c0_i32 = arith.constant 0 : i32
    %c0_i32_0 = arith.constant 0 : i32
    return %arg0, %c0_i32 : i32, i32
  }
  func.func @transform_1(%arg0: i32) -> (i32, i32) {
    %c0_i32 = arith.constant 0 : i32
    %c0_i32_0 = arith.constant 0 : i32
    %c0_i32_1 = arith.constant 0 : i32
    return %c0_i32, %c0_i32_0 : i32, i32
  }
  func.func @transform_2(%arg0: i32) -> (i32, i32) {
    %c0_i32 = arith.constant 0 : i32
    %c0_i32_0 = arith.constant 0 : i32
    %c0_i32_1 = arith.constant 0 : i32
    return %c0_i32, %c0_i32_0 : i32, i32
  }
  func.func @transform_3(%arg0: i32) -> (i32, i32) {
    %c0_i32 = arith.constant 0 : i32
    %c0_i32_0 = arith.constant 0 : i32
    return %arg0, %c0_i32 : i32, i32
  }
  func.func @transform_4(%arg0: i32) -> (i32, i32) {
    %c0_i32 = arith.constant 0 : i32
    %c0_i32_0 = arith.constant 0 : i32
    return %arg0, %c0_i32 : i32, i32
  }
}

</mosaic_0001>

<sc_bundles>
// kernel: kernel.11.cloned.1.call-start
scs
__scs_entry_jumppad:
0x0: {  	(pc) =	sbr.rel $0x88, $3  }
0x1: {  	(tag) =	ssettag $0x0;
	lr =	simm.s32 $0x1  }
0x2: {  	[smem:$0x3F9B] =	sst lr;
	_ =	strace $0xD0000000  }
0x3: {  	_ = 	snop  }
0x4: {  	_ = 	snop  }
0x5: {  	_ = 	snop  }
0x6: {  	_ = 	snop  }
0x7: {  	_ = 	snop  }
__scs_overlays_trampoline_lowered:
0x8: {  	[smem:$0x3FAA] =	sst s0  }
0x9: {  	[smem:$0x3FAB] =	sst s1  }
0xa: {  	[smem:$0x3FAC] =	sst s2  }
0xb: {  	[smem:$0x3FAD] =	sst s3  }
0xc: {  	[smem:$0x3FAE] =	sst s4  }
0xd: {  	[smem:$0x3FAF] =	sst s5  }
0xe: {  	[smem:$0x3FB0] =	sst s6  }
0xf: {  	[smem:$0x3FB1] =	sst s7  }
0x10: {  	[smem:$0x3FB2] =	sst s8  }
0x11: {  	[smem:$0x3FB3] =	sst s9;
	s0 =	simm.s32 @!p0 $0x0  }
0x12: {  	s1 =	sld [smem:$0x3F99];
	s0 =	simm.s32 @p0 $0x1  }
0x13: {  	[smem:$0x3FB4] =	sst s0;
	s0 =	simm.s32 @!p1 $0x0  }
0x14: {  	s2 =	sld [smem:$0x3F98];
	s0 =	simm.s32 @p1 $0x1  }
0x15: {  	[smem:$0x3FB5] =	sst s0;
	s0 =	simm.s32 @!p2 $0x0  }
0x16: {  	s3 =	sld [smem:$0x3FDB];
	s0 =	simm.s32 @p2 $0x1  }
0x17: {  	s4 =	simm.s32 $0x1BF5;
	[smem:$0x3FB7] =	sst s0  }
0x18: {  	s0 =	sld [smem:$0x3F9A];
	_ =	swait.ge [sflag:s4], $0x0  }
0x19: {  	s7 =	sld [smem:$0x3F9B]  }
0x1a: {  	s8 =	sadd.s32 $0xFFFFE003, lr  }
0x1b: {  	s9 =	sadd.s32 $0xFFFFFEF7, lr;
	s5 =	simm.s32 $0xFFFFFFFF;
	p2 =	slt.u32 s8, $0xFFFFF086  }
0x1c: {  	p1 =	slt.u32 s9, $0xF7A;
	s5 =	simm.s32 @!p2 $0x0  }
0x1d: {  	s5 =	simm.s32 @p1 $0x1;
	p0 =	seq.s32 s7, s2  }
0x1e: {  	s7 =	smul.u32 @!p0 $0xF7A, s2;
	p2 =	seq.s32 @!p0 s5, $0x0  }
0x1f: {  	s9 =	smul.u32 $0xF7A, s1;
	s8 =	simm.s32 @!p0 $0x1BF5;
	p2 =	por !p2, p0  }
0x20: {  	[sflag:s8] =	ssyncset.s32 @!p0 $0xFFFFF086;
	s6 =	sadd.s32 @!p0 s3, s7;
	s7 =	simm.s32 @!p0 $0x108  }
0x21: {  	s3 =	sadd.s32 s3, s9;
	s6 =	sadd.s32 @!p0 $0x88, s6;
	s7 =	simm.s32 @p2 $0x1082  }
0x22: {  	[simem:s7], [sflag:s8] =	dma.local @!p0 [hbm:s6], $0xF7A  }
0x23: {  	s9 =	sor.u32 $0xD0000000, s2;
	s6 =	simm.s32 $0x108;
	_ =	swait.ge @!p0 [sflag:s8], $0x0  }
0x24: {  	s3 =	sadd.s32 $0x88, s3;
	s6 =	simm.s32 @!p1 $0x1082;
	[sflag:s4] =	ssyncset.s32 $0xFFFFF086  }
0x25: {  	[simem:s6], [sflag:s4] =	dma.local [hbm:s3], $0xF7A  }
0x26: {  	[smem:$0x3F9B] =	sst s1;
	(tag) =	ssettag s2;
	_ =	strace s9  }
0x27: {  	s1 =	sld [smem:$0x3FAB]  }
0x28: {  	s2 =	sld [smem:$0x3FAC]  }
0x29: {  	s4 =	sld [smem:$0x3FAE]  }
0x2a: {  	p0 =	seq.s32 s5, $0x0;
	s5 =	sld [smem:$0x3FAF]  }
0x2b: {  	s6 =	sld [smem:$0x3FB0]  }
0x2c: {  	s7 =	sld [smem:$0x3FB1]  }
0x2d: {  	s3 =	simm.s32 $0x108;
	s8 =	sld [smem:$0x3FB2]  }
0x2e: {  	s3 =	simm.s32 @!p0 $0x1082;
	s9 =	sld [smem:$0x3FB3]  }
0x2f: {  	lr =	sadd.s32 s0, s3;
	s0 =	sld [smem:$0x3FAA]  }
0x30: {  	s3 =	sld [smem:$0x3FAD]  }
0x31: {  	[smem:$0x3FB6] =	sst s10  }
0x32: {  	s10 =	sld [smem:$0x3FB4];
	_ =	sdelay $0x3  }
0x33: {  	p0 =	seq.s32 s10, $0x1;
	s10 =	sld [smem:$0x3FB6];
	_ =	sdelay $0x3  }
0x34: {  	[smem:$0x3FB6] =	sst s10  }
0x35: {  	s10 =	sld [smem:$0x3FB5];
	_ =	sdelay $0x3  }
0x36: {  	p1 =	seq.s32 s10, $0x1;
	s10 =	sld [smem:$0x3FB6];
	_ =	sdelay $0x3  }
0x37: {  	[smem:$0x3FB6] =	sst s10  }
0x38: {  	s10 =	sld [smem:$0x3FB7]  }
0x39: {  	_ = 	snop;
	(pc) =	sbr.ind lr, $3  }
0x3a: {  	_ = 	snop  }
0x3b: {  	_ = 	snop  }
0x3c: {  	p2 =	seq.s32 s10, $0x1;
	s10 =	sld [smem:$0x3FB6]  }
0x3d: {  	_ =	shalt  }
0x3e: {  	_ =	shalt  }
0x3f: {  	_ =	shalt  }
0x40: {  	_ =	shalt  }
0x41: {  	_ =	shalt  }
0x42: {  	_ =	shalt  }
0x43: {  	_ =	shalt  }
0x44: {  	_ =	shalt  }
0x45: {  	_ =	shalt  }
0x46: {  	_ =	shalt  }
0x47: {  	_ =	shalt  }
0x48: {  	_ =	shalt  }
0x49: {  	_ =	shalt  }
0x4a: {  	_ =	shalt  }
0x4b: {  	_ =	shalt  }
0x4c: {  	_ =	shalt  }
0x4d: {  	_ =	shalt  }
0x4e: {  	_ =	shalt  }
0x4f: {  	_ =	shalt  }
0x50: {  	_ =	shalt  }
0x51: {  	_ =	shalt  }
0x52: {  	_ =	shalt  }
0x53: {  	_ =	shalt  }
0x54: {  	_ =	shalt  }
0x55: {  	_ =	shalt  }
0x56: {  	_ =	shalt  }
0x57: {  	_ =	shalt  }
0x58: {  	_ =	shalt  }
0x59: {  	_ =	shalt  }
0x5a: {  	_ =	shalt  }
0x5b: {  	_ =	shalt  }
0x5c: {  	_ =	shalt  }
0x5d: {  	_ =	shalt  }
0x5e: {  	_ =	shalt  }
0x5f: {  	_ =	shalt  }
0x60: {  	_ =	shalt  }
0x61: {  	_ =	shalt  }
0x62: {  	_ =	shalt  }
0x63: {  	_ =	shalt  }
0x64: {  	_ =	shalt  }
0x65: {  	_ =	shalt  }
0x66: {  	_ =	shalt  }
0x67: {  	_ =	shalt  }
0x68: {  	_ =	shalt  }
0x69: {  	_ =	shalt  }
0x6a: {  	_ =	shalt  }
0x6b: {  	_ =	shalt  }
0x6c: {  	_ =	shalt  }
0x6d: {  	_ =	shalt  }
0x6e: {  	_ =	shalt  }
0x6f: {  	_ =	shalt  }
0x70: {  	_ =	shalt  }
0x71: {  	_ =	shalt  }
0x72: {  	_ =	shalt  }
0x73: {  	_ =	shalt  }
0x74: {  	_ =	shalt  }
0x75: {  	_ =	shalt  }
0x76: {  	_ =	shalt  }
0x77: {  	_ =	shalt  }
0x78: {  	_ =	shalt  }
0x79: {  	_ =	shalt  }
0x7a: {  	_ =	shalt  }
0x7b: {  	_ =	shalt  }
0x7c: {  	_ =	shalt  }
0x7d: {  	_ =	shalt  }
0x7e: {  	_ =	shalt  }
0x7f: {  	_ =	shalt  }
0x80: {  	_ =	shalt  }
0x81: {  	_ =	shalt  }
0x82: {  	_ =	shalt  }
0x83: {  	_ =	shalt  }
0x84: {  	_ =	shalt  }
0x85: {  	_ =	shalt  }
0x86: {  	_ =	shalt  }
0x87: {  	_ =	shalt  }
.Lfunc_end0:
.L_simem_size_0:
called_computation.1_lowered:
.L_overlay_start_0:
0x88: {  	s2 =	sld [smem:$0x3FD9]  }
0x89: {  	s3 =	sld [smem:$0x3FFE];
	_ =	sdelay $0x1  }
0x8a: {  	s1 =	srdreg.scid  }
0x8b: {  	s0 =	sand.u32 $0x1, s1  }
0x8c: {  	s16 =	sshll.u32 s0, $0xA;
	s2 =	sadd.s32 s3, s2  }
0x8d: {  	s2 =	sadd.s32 s2, s16  }
0x8e: {  	[smem:$0x3FC2] =	sst s2  }
0x8f: {  	_ = 	snop  }
0x90: {  	(tm) =	ssettm $0x1  }
0x91: {  	s17 =	sld [smem:$0x3FFB];
	_ =	sdelay $0x3  }
0x92: {  	_ =	strace s17  }
0x93: {  	s2 =	sld [smem:$0x3FFC];
	_ =	sdelay $0x3  }
0x94: {  	_ =	strace s2  }
0x95: {  	s2 =	sld [smem:$0x3FFD];
	_ =	sdelay $0x3  }
0x96: {  	_ =	strace s2  }
0x97: {  	_ =	strace $0x8FFFFFFF  }
0x98: {  	s18 =	sld [smem:$0x3FDB];
	_ =	sdelay $0x1  }
0x99: {  	s19 =	simm.s32 $_scs_section_size  }
0x9a: {  	s4 =	simm.s32 $_size__tile_overlayer_lowered;
	s5 =	simm.s32 $_tile_overlayer_lowered  }
0x9b: {  	s22 =	simm.s32 $0x1BFF;
	s21 =	sshll.u32 s5, $0x1;
	s2 =	sadd.s32 s19, s18  }
0x9c: {  	s6 =	simm.s32 $0x0;
	s20 =	sshll.u32 s4, $0x1;
	s4 =	sadd.s32 s21, s2  }
0x9d: {  	[timem:s6], [sflag:s22] =	dma.local [hbm:s4], s20  }
0x9e: {  	_ =	swait.ge [sflag:s22], s20  }
0x9f: {  	s3 =	ssub.s32 $0x0, s20;
	[sflag:s22] =	ssyncset.done $0x0  }
0xa0: {  	[sflag:s22] =	ssyncadd.s32 s3;
	_ =	sdelay $0x1  }
0xa1: {  	s23 =	simm.s32 $0x1B8B  }
0xa2: {  	_ =	swait.ge [sflag:s23], $0x1  }
0xa3: {  	[sflag:s23] =	ssyncset.done $0x0  }
0xa4: {  	s25 =	simm.s32 $0x1B8E;
	s24 =	sld [smem:$0x3FFE];
	[sflag:s23] =	ssyncadd.s32 $0xFFFFFFFF  }
0xa5: {  	s26 =	simm.s32 $execute0_lowered;
	[smem:$0x3FD2] =	sst s25  }
0xa6: {  	s4 =	sshll.u32 s26, $0x1;
	_ =	strace $0x80000049;
	[dreg:$0x1] =	wrdreg $0xFFFFFFFF  }
0xa7: {  	s28 =	simm.s32 $_size_execute0_lowered;
	s2 =	sadd.s32 s2, s4;
	[dreg:$0x0] =	wrdreg $0x0  }
0xa8: {  	s4 =	sshll.u32 s28, $0x1;
	[dreg:$0x2] =	wrdreg s2  }
0xa9: {  	[dreg:$0x3] =	wrdreg s4  }
0xaa: {  	[dreg:$0x4] =	wrdreg $0xC0  }
0xab: {  	_ =	task [dreg:s6], $0x5FFFF  }
0xac: {  	[dreg:$0x1] =	wrdreg $0xFFFFFFFF  }
0xad: {  	[dreg:$0x0] =	wrdreg $0x60  }
0xae: {  	[dreg:$0x2] =	wrdreg s24  }
0xaf: {  	[dreg:$0x3] =	wrdreg $0x9  }
0xb0: {  	_ =	task.clear_ibuf [dreg:s6], $0x4FFFF;
	_ =	strace $0x90000049  }
0xb1: {  	s29 =	simm.s32 $0x9;
	_ =	strace $0x8000004B  }
0xb2: {  	_ =	swait.ge [sflag:s29], $0x1  }
0xb3: {  	[sflag:s29] =	ssyncadd.s32 $0xFFFFFFFF  }
0xb4: {  	_ =	strace $0x9000004B  }
0xb5: {  	_ =	sfence  }
0xb6: {  	s30 =	sld [smem:$0x0];
	_ =	sdelay $0x2  }
0xb7: {  	s31 =	sshll.u32 s1, $0xD;
	s1 =	sshrl.u32 s1, $0x2  }
0xb8: {  	s3 =	sand.u32 $0x4000, s31;
	s1 =	sadd.s32 s1, s30  }
0xb9: {  	s0 =	sor.u32 s3, s0;
	s1 =	sshll.u32 s1, $0x11  }
0xba: {  	s0 =	sor.u32 s1, s0  }
0xbb: {  	s0 =	sadd.s32 $0x8F2B, s0  }
0xbc: {  	[sflag:s0] =	ssyncadd.remote.s32 $0x1  }
0xbd: {  	_ =	sfence.sel $0xFFFF  }
0xbe: {  	[dreg:$0x0] =	wrdreg $0xFFFFFFFF;
	(pc) =	sbr.abs _section_cstart, $3  }
0xbf: {  	[dreg:$0x1] =	wrdreg $0xFFFFFFFF  }
0xc0: {  	_ =	task.clear_ibuf [dreg:s6], $0x2FFFF;
	_ =	strace $0x9FFFFFFF  }
0xc1: {  	(tm) =	ssettm $0x7FFFFFFF  }
tec
execute0_lowered:
.L_overlay_start_1:
0x0: {  	(tag) =	ssettag $0x1  }
0x1: {  	s1 =	srdreg.scid  }
0x2: {  	s0 =	stileid.u32;
	s6 =	rddreg [dreg:$0x0]  }
0x3: {  	s19 =	simm.s32 $0x880;
	s20 =	simm.s32 $0x1080;
	s21 =	simm.s32 $0x1880  }
0x4: {  	s22 =	simm.s32 $0x2080;
	s23 =	simm.s32 $0x2880;
	s7 =	simm.s32 $0x3080  }
0x5: {  	s24 =	simm.s32 $0x3880;
	s8 =	simm.s32 $0x4080;
	s25 =	simm.s32 $0x4880  }
0x6: {  	s26 =	simm.s32 $0x5080;
	s9 =	simm.s32 $0x80;
	s1 =	sand.u32 $0x1, s1  }
0x7: {  	s11 =	simm.s32 $0x6080;
	s2 =	sshll.u32 s0, $0x7;
	s3 =	sshll.u32 s1, $0x6  }
0x8: {  	s12 =	simm.s32 $0x6880;
	s3 =	sor.u32 s3, s2;
	s2 =	simm.s32 $0x0  }
0x9: {  	s13 =	simm.s32 $0x7080;
	s14 =	simm.s32 $0x7880;
	[smem:$0x7FF] =	sst s2  }
0xa: {  	s15 =	simm.s32 $0x8080;
	_ =	strace $0x8000004A;
	[dreg:$0x4] =	wrdreg s19  }
0xb: {  	s16 =	simm.s32 $0x8880;
	s17 =	simm.s32 $0x9080;
	[dreg:$0x5] =	wrdreg s20  }
0xc: {  	s18 =	simm.s32 $0x9880;
	s28 =	simm.s32 $0xE080;
	[dreg:$0x6] =	wrdreg s21  }
0xd: {  	s29 =	simm.s32 $0xE880;
	s30 =	simm.s32 $0xF080;
	[dreg:$0x7] =	wrdreg s22  }
0xe: {  	s31 =	simm.s32 $0xF880;
	s1 =	ssub.s32 $0x2, s1;
	[dreg:$0x8] =	wrdreg s23  }
0xf: {  	s5 =	sshrl.u32 s1, $0x1;
	s4 =	sshrl.u32 s3, $0x3;
	[dreg:$0x9] =	wrdreg s7  }
0x10: {  	s3 =	sshll.u32 s3, $0x7;
	s1 =	ssub.s32 s1, s5;
	[dreg:$0xa] =	wrdreg s24  }
0x11: {  	s5 =	sadd.s32 $0xC0A00, s6;
	s4 =	sadd.s32 s4, s6;
	[dreg:$0xb] =	wrdreg s8  }
0x12: {  	s3 =	sadd.s32 s3, s6;
	s7 =	smax.u32 s1, $0x1;
	[dreg:$0xc] =	wrdreg s25  }
0x13: {  	s8 =	simm.s32 $0x2;
	[dreg:$0xd] =	wrdreg s26;
	s19 =	simm.s32 $0xA080  }
0x14: {  	s20 =	simm.s32 $0xA880;
	s21 =	simm.s32 $0xB080;
	s22 =	simm.s32 $0xB880  }
0x15: {  	s23 =	simm.s32 $0xC080;
	s24 =	simm.s32 $0xC880;
	s4 =	sadd.s32 $0x600, s4  }
0x16: {  	v2 =	vlaneseq.u32;
	s25 =	simm.s32 $0xD080;
	s3 =	sadd.s32 $0x800, s3;
	[dreg:$0x2] =	wrdreg s4  }
0x17: {  	vm0 =	vmmov $0xffff;
	v1 =	vshrl.u32 v2, $0x3;
	s26 =	simm.s32 $0xD880;
	s1 =	simm.s32 $0x1;
	[dreg:$0x3] =	wrdreg s3  }
0x18: {  	v0 =	vand.u32 $0x7, v2;
	v2 =	vor.u32 $0x8, v2;
	v1 =	vmul.u32 $0x8, v1;
	s3 =	sadd.s32 $0xC0800, s6;
	s4 =	sadd.s32 $0xC0900, s6;
	s6 =	sadd.s32 $0xC0B00, s6  }
.LBB2_1:
0x19: {  	s0 =	rddreg [dreg:$0x2]  }
0x1a: {  	[tilespmem:s2], [sflag:$0x2] =	stream.linear.gather [hbm4b:s0+s2], $0x40, $0x38;
	[tilespmem:$0x10080] =	vst v63  }
0x1b: {  	_ =	swait.ge [sflag:s8], $0x40  }
0x1c: {  	[sflag:s8] =	ssyncset.done $0x0  }
0x1d: {  	[sflag:s8] =	ssyncadd.s32 $0xFFFFFFC0  }
0x1e: {  	v3 =	vld [tilespmem:$0x0];
	_ =	sdelay $0x4  }
0x1f: {  	v4 =	vshll.u32 v3, $0x3  }
0x20: {  	v3 =	vand.u32 $0x7, v3;
	v4 =	vand.u32 $0xFFFFFFC0, v4  }
0x21: {  	v3 =	vor.u32 v3, v4  }
0x22: {  	v4 =	vperm.xlane v3, v0;
	_ =	sdelay $0x1  }
0x23: {  	v4 =	vadd.s32 v1, v4;
	_ =	sdelay $0x4  }
0x24: {  	[tilespmem:s9], [sflag:$0x1] =	stream.indirect_vreg.gather [hbm4b:s3+s2], $0x80, v4, vm0, $0xb8;
	[tilespmem:$0x10080] =	vst v63  }
0x25: {  	s0 =	rddreg [dreg:$0x4];
	v3 =	vperm.xlane v3, v2  }
0x26: {  	[tilespmem:s0], [sflag:$0x1] =	stream.indirect_vreg.gather [hbm4b:s4+s2], $0x80, v4, vm0, $0xb8;
	[tilespmem:$0x10080] =	vst v63  }
0x27: {  	s10 =	rddreg [dreg:$0x5];
	v3 =	vadd.s32 v1, v3  }
0x28: {  	[tilespmem:s10], [sflag:$0x1] =	stream.indirect_vreg.gather [hbm4b:s5+s2], $0x80, v4, vm0, $0xb8;
	[tilespmem:$0x10080] =	vst v63  }
0x29: {  	s0 =	rddreg [dreg:$0x6]  }
0x2a: {  	[tilespmem:s0], [sflag:$0x1] =	stream.indirect_vreg.gather [hbm4b:s6+s2], $0x80, v4, vm0, $0xb8;
	[tilespmem:$0x10080] =	vst v63  }
0x2b: {  	s10 =	rddreg [dreg:$0x7]  }
0x2c: {  	[tilespmem:s10], [sflag:$0x1] =	stream.indirect_vreg.gather [hbm4b:s3+s2], $0x80, v3, vm0, $0xb8;
	[tilespmem:$0x10080] =	vst v63  }
0x2d: {  	s0 =	rddreg [dreg:$0x8]  }
0x2e: {  	[tilespmem:s0], [sflag:$0x1] =	stream.indirect_vreg.gather [hbm4b:s4+s2], $0x80, v3, vm0, $0xb8;
	[tilespmem:$0x10080] =	vst v63  }
0x2f: {  	s10 =	rddreg [dreg:$0x9]  }
0x30: {  	[tilespmem:s10], [sflag:$0x1] =	stream.indirect_vreg.gather [hbm4b:s5+s2], $0x80, v3, vm0, $0xb8;
	[tilespmem:$0x10080] =	vst v63  }
0x31: {  	s0 =	rddreg [dreg:$0xa]  }
0x32: {  	[tilespmem:s0], [sflag:$0x1] =	stream.indirect_vreg.gather [hbm4b:s6+s2], $0x80, v3, vm0, $0xb8;
	[tilespmem:$0x10080] =	vst v63  }
0x33: {  	v3 =	vld [tilespmem:$0x10];
	_ =	sdelay $0x4  }
0x34: {  	v61 =	vshll.u32 v3, $0x3  }
0x35: {  	v3 =	vand.u32 $0x7, v3;
	v4 =	vand.u32 $0xFFFFFFC0, v61  }
0x36: {  	v3 =	vor.u32 v3, v4  }
0x37: {  	v4 =	vperm.xlane v3, v0;
	_ =	sdelay $0x1  }
0x38: {  	v4 =	vadd.s32 v1, v4;
	_ =	sdelay $0x3  }
0x39: {  	s0 =	rddreg [dreg:$0xb]  }
0x3a: {  	[tilespmem:s0], [sflag:$0x1] =	stream.indirect_vreg.gather [hbm4b:s3+s2], $0x80, v4, vm0, $0xb8;
	[tilespmem:$0x10080] =	vst v63  }
0x3b: {  	s10 =	rddreg [dreg:$0xc];
	v3 =	vperm.xlane v3, v2  }
0x3c: {  	[tilespmem:s10], [sflag:$0x1] =	stream.indirect_vreg.gather [hbm4b:s4+s2], $0x80, v4, vm0, $0xb8;
	[tilespmem:$0x10080] =	vst v63  }
0x3d: {  	v3 =	vadd.s32 v1, v3;
	s0 =	rddreg [dreg:$0xd]  }
0x3e: {  	[tilespmem:s0], [sflag:$0x1] =	stream.indirect_vreg.gather [hbm4b:s5+s2], $0x80, v4, vm0, $0xb8;
	[tilespmem:$0x10080] =	vst v63  }
0x3f: {  	s10 =	simm.s32 $0x5880  }
0x40: {  	[tilespmem:s10], [sflag:$0x1] =	stream.indirect_vreg.gather [hbm4b:s6+s2], $0x80, v4, vm0, $0xb8;
	[tilespmem:$0x10080] =	vst v63  }
0x41: {  	_ = 	snop  }
0x42: {  	[tilespmem:s11], [sflag:$0x1] =	stream.indirect_vreg.gather [hbm4b:s3+s2], $0x80, v3, vm0, $0xb8;
	[tilespmem:$0x10080] =	vst v63  }
0x43: {  	_ = 	snop  }
0x44: {  	[tilespmem:s12], [sflag:$0x1] =	stream.indirect_vreg.gather [hbm4b:s4+s2], $0x80, v3, vm0, $0xb8;
	[tilespmem:$0x10080] =	vst v63  }
0x45: {  	_ = 	snop  }
0x46: {  	[tilespmem:s13], [sflag:$0x1] =	stream.indirect_vreg.gather [hbm4b:s5+s2], $0x80, v3, vm0, $0xb8;
	[tilespmem:$0x10080] =	vst v63  }
0x47: {  	_ = 	snop  }
0x48: {  	[tilespmem:s14], [sflag:$0x1] =	stream.indirect_vreg.gather [hbm4b:s6+s2], $0x80, v3, vm0, $0xb8;
	[tilespmem:$0x10080] =	vst v63  }
0x49: {  	v3 =	vld [tilespmem:$0x20];
	_ =	sdelay $0x4  }
0x4a: {  	v62 =	vshll.u32 v3, $0x3  }
0x4b: {  	v3 =	vand.u32 $0x7, v3;
	v4 =	vand.u32 $0xFFFFFFC0, v62  }
0x4c: {  	v3 =	vor.u32 v3, v4  }
0x4d: {  	v4 =	vperm.xlane v3, v0;
	_ =	sdelay $0x1  }
0x4e: {  	v4 =	vadd.s32 v1, v4;
	_ =	sdelay $0x4  }
0x4f: {  	[tilespmem:s15], [sflag:$0x1] =	stream.indirect_vreg.gather [hbm4b:s3+s2], $0x80, v4, vm0, $0xb8;
	[tilespmem:$0x10080] =	vst v63  }
0x50: {  	v3 =	vperm.xlane v3, v2  }
0x51: {  	[tilespmem:s16], [sflag:$0x1] =	stream.indirect_vreg.gather [hbm4b:s4+s2], $0x80, v4, vm0, $0xb8;
	[tilespmem:$0x10080] =	vst v63  }
0x52: {  	v3 =	vadd.s32 v1, v3  }
0x53: {  	[tilespmem:s17], [sflag:$0x1] =	stream.indirect_vreg.gather [hbm4b:s5+s2], $0x80, v4, vm0, $0xb8;
	[tilespmem:$0x10080] =	vst v63  }
0x54: {  	_ = 	snop  }
0x55: {  	[tilespmem:s18], [sflag:$0x1] =	stream.indirect_vreg.gather [hbm4b:s6+s2], $0x80, v4, vm0, $0xb8;
	[tilespmem:$0x10080] =	vst v63  }
0x56: {  	_ = 	snop  }
0x57: {  	[tilespmem:s19], [sflag:$0x1] =	stream.indirect_vreg.gather [hbm4b:s3+s2], $0x80, v3, vm0, $0xb8;
	[tilespmem:$0x10080] =	vst v63  }
0x58: {  	_ = 	snop  }
0x59: {  	[tilespmem:s20], [sflag:$0x1] =	stream.indirect_vreg.gather [hbm4b:s4+s2], $0x80, v3, vm0, $0xb8;
	[tilespmem:$0x10080] =	vst v63  }
0x5a: {  	_ = 	snop  }
0x5b: {  	[tilespmem:s21], [sflag:$0x1] =	stream.indirect_vreg.gather [hbm4b:s5+s2], $0x80, v3, vm0, $0xb8;
	[tilespmem:$0x10080] =	vst v63  }
0x5c: {  	_ = 	snop  }
0x5d: {  	[tilespmem:s22], [sflag:$0x1] =	stream.indirect_vreg.gather [hbm4b:s6+s2], $0x80, v3, vm0, $0xb8;
	[tilespmem:$0x10080] =	vst v63  }
0x5e: {  	v3 =	vld [tilespmem:$0x30];
	_ =	sdelay $0x4  }
0x5f: {  	v63 =	vshll.u32 v3, $0x3  }
0x60: {  	v3 =	vand.u32 $0x7, v3;
	v4 =	vand.u32 $0xFFFFFFC0, v63  }
0x61: {  	v3 =	vor.u32 v3, v4  }
0x62: {  	v4 =	vperm.xlane v3, v0;
	_ =	sdelay $0x1  }
0x63: {  	v4 =	vadd.s32 v1, v4;
	_ =	sdelay $0x4  }
0x64: {  	[tilespmem:s23], [sflag:$0x1] =	stream.indirect_vreg.gather [hbm4b:s3+s2], $0x80, v4, vm0, $0xb8;
	[tilespmem:$0x10080] =	vst v63  }
0x65: {  	v3 =	vperm.xlane v3, v2  }
0x66: {  	[tilespmem:s24], [sflag:$0x1] =	stream.indirect_vreg.gather [hbm4b:s4+s2], $0x80, v4, vm0, $0xb8;
	[tilespmem:$0x10080] =	vst v63  }
0x67: {  	v3 =	vadd.s32 v1, v3  }
0x68: {  	[tilespmem:s25], [sflag:$0x1] =	stream.indirect_vreg.gather [hbm4b:s5+s2], $0x80, v4, vm0, $0xb8;
	[tilespmem:$0x10080] =	vst v63  }
0x69: {  	_ = 	snop  }
0x6a: {  	[tilespmem:s26], [sflag:$0x1] =	stream.indirect_vreg.gather [hbm4b:s6+s2], $0x80, v4, vm0, $0xb8;
	[tilespmem:$0x10080] =	vst v63  }
0x6b: {  	_ = 	snop  }
0x6c: {  	[tilespmem:s28], [sflag:$0x1] =	stream.indirect_vreg.gather [hbm4b:s3+s2], $0x80, v3, vm0, $0xb8;
	[tilespmem:$0x10080] =	vst v63  }
0x6d: {  	_ = 	snop  }
0x6e: {  	[tilespmem:s29], [sflag:$0x1] =	stream.indirect_vreg.gather [hbm4b:s4+s2], $0x80, v3, vm0, $0xb8;
	[tilespmem:$0x10080] =	vst v63  }
0x6f: {  	_ = 	snop  }
0x70: {  	[tilespmem:s30], [sflag:$0x1] =	stream.indirect_vreg.gather [hbm4b:s5+s2], $0x80, v3, vm0, $0xb8;
	[tilespmem:$0x10080] =	vst v63  }
0x71: {  	_ = 	snop  }
0x72: {  	[tilespmem:s31], [sflag:$0x1] =	stream.indirect_vreg.gather [hbm4b:s6+s2], $0x80, v3, vm0, $0xb8;
	[tilespmem:$0x10080] =	vst v63  }
0x73: {  	_ =	swait.ge [sflag:s1], $0x10000  }
0x74: {  	p0 =	sne.s32 s7, $0x1;
	[sflag:s1] =	ssyncset.done $0x0  }
.Ltmp0:
0x75: {  	s10 =	rddreg [dreg:$0x3];
	[sflag:s1] =	ssyncadd.s32 $0xFFFF0000;
	(pc) =	sbr.rel @p0 .LBB2_1-.Ltmp0, $4  }
0x76: {  	[hbm4b:s10+s2] =	stream.linear.scatter [tilespmem:s9], [sflag:$0x2], $0x10000, $0x38;
	[tilespmem:$0x10080] =	vst v63  }
0x77: {  	_ =	swait.ge [sflag:s8], $0x10000  }
0x78: {  	[sflag:s8] =	ssyncset.done $0x0  }
0x79: {  	s7 =	sadd.s32 $0xFFFFFFFF, s7;
	[sflag:s8] =	ssyncadd.s32 $0xFFFF0000  }
0x7a: {  	_ =	sfence.sel $0x180000  }
0x7b: {  	[bflag:$0x0] =	sbarrier.arrive $0xFFFF  }
0x7c: {  	_ =	strace $0x9000004A  }
0x7d: {  	s0 =	stileid.u32;
	[bflag:$0x2] =	sbarrier.arrive $0xFFFF  }
0x7e: {  	p0 =	sne.s32 s0, $0x0;
	s0 =	rddreg [dreg:$0x1]  }
0x7f: {  	s0 =	sadd.s32 @!p0 $0x100000, s0  }
0x80: {  	[sflag:s0] =	ssyncadd.tile.s32 @!p0 $0x1;
	_ =	shalt  }
.Lfunc_end2:
_tile_overlayer_lowered:
.L_overlay_start_2:
0x81: {  	(tag) =	ssettag $0x2  }
0x82: {  	s0 =	rddreg [dreg:$0x0];
	s2 =	stileid.u32  }
0x83: {  	s1 =	rddreg [dreg:$0x1];
	p0 =	sne.s32 s2, $0x0  }
0x84: {  	s3 =	rddreg [dreg:$0x2];
	[bflag:$0x3] =	sbarrier.arrive $0xFFFF;
	s2 =	simm.s32 @!p0 $0x1C02  }
0x85: {  	[timem:s3], [sflag:s2] =	dma.local @!p0 [hbm:s0], s1  }
0x86: {  	s0 =	simm.s32 @!p0 $0x2  }
0x87: {  	_ =	swait.ge @!p0 [sflag:s0], s1  }
0x88: {  	s1 =	ssub.s32 @!p0 $0x0, s1;
	[sflag:s0] =	ssyncset.done @!p0 $0x0  }
0x89: {  	[sflag:s0] =	ssyncadd.s32 @!p0 s1  }
0x8a: {  	[bflag:$0x3] =	sbarrier.arrive $0xFFFF  }
0x8b: {  	_ =	shalt  }

// kernel: kernel.8.cloned.1.call-start
scs
__scs_entry_jumppad:
0x0: {  	(pc) =	sbr.rel $0x88, $3  }
0x1: {  	(tag) =	ssettag $0x0;
	lr =	simm.s32 $0x1  }
0x2: {  	[smem:$0x3F9B] =	sst lr;
	_ =	strace $0xD0000000  }
0x3: {  	_ = 	snop  }
0x4: {  	_ = 	snop  }
0x5: {  	_ = 	snop  }
0x6: {  	_ = 	snop  }
0x7: {  	_ = 	snop  }
__scs_overlays_trampoline_lowered:
0x8: {  	[smem:$0x3FAA] =	sst s0  }
0x9: {  	[smem:$0x3FAB] =	sst s1  }
0xa: {  	[smem:$0x3FAC] =	sst s2  }
0xb: {  	[smem:$0x3FAD] =	sst s3  }
0xc: {  	[smem:$0x3FAE] =	sst s4  }
0xd: {  	[smem:$0x3FAF] =	sst s5  }
0xe: {  	[smem:$0x3FB0] =	sst s6  }
0xf: {  	[smem:$0x3FB1] =	sst s7  }
0x10: {  	[smem:$0x3FB2] =	sst s8  }
0x11: {  	[smem:$0x3FB3] =	sst s9;
	s0 =	simm.s32 @!p0 $0x0  }
0x12: {  	s1 =	sld [smem:$0x3F99];
	s0 =	simm.s32 @p0 $0x1  }
0x13: {  	[smem:$0x3FB4] =	sst s0;
	s0 =	simm.s32 @!p1 $0x0  }
0x14: {  	s2 =	sld [smem:$0x3F98];
	s0 =	simm.s32 @p1 $0x1  }
0x15: {  	[smem:$0x3FB5] =	sst s0;
	s0 =	simm.s32 @!p2 $0x0  }
0x16: {  	s3 =	sld [smem:$0x3FDB];
	s0 =	simm.s32 @p2 $0x1  }
0x17: {  	s4 =	simm.s32 $0x1BF5;
	[smem:$0x3FB7] =	sst s0  }
0x18: {  	s0 =	sld [smem:$0x3F9A];
	_ =	swait.ge [sflag:s4], $0x0  }
0x19: {  	s7 =	sld [smem:$0x3F9B]  }
0x1a: {  	s8 =	sadd.s32 $0xFFFFE003, lr  }
0x1b: {  	s9 =	sadd.s32 $0xFFFFFEF7, lr;
	s5 =	simm.s32 $0xFFFFFFFF;
	p2 =	slt.u32 s8, $0xFFFFF086  }
0x1c: {  	p1 =	slt.u32 s9, $0xF7A;
	s5 =	simm.s32 @!p2 $0x0  }
0x1d: {  	s5 =	simm.s32 @p1 $0x1;
	p0 =	seq.s32 s7, s2  }
0x1e: {  	s7 =	smul.u32 @!p0 $0xF7A, s2;
	p2 =	seq.s32 @!p0 s5, $0x0  }
0x1f: {  	s9 =	smul.u32 $0xF7A, s1;
	s8 =	simm.s32 @!p0 $0x1BF5;
	p2 =	por !p2, p0  }
0x20: {  	[sflag:s8] =	ssyncset.s32 @!p0 $0xFFFFF086;
	s6 =	sadd.s32 @!p0 s3, s7;
	s7 =	simm.s32 @!p0 $0x108  }
0x21: {  	s3 =	sadd.s32 s3, s9;
	s6 =	sadd.s32 @!p0 $0x88, s6;
	s7 =	simm.s32 @p2 $0x1082  }
0x22: {  	[simem:s7], [sflag:s8] =	dma.local @!p0 [hbm:s6], $0xF7A  }
0x23: {  	s9 =	sor.u32 $0xD0000000, s2;
	s6 =	simm.s32 $0x108;
	_ =	swait.ge @!p0 [sflag:s8], $0x0  }
0x24: {  	s3 =	sadd.s32 $0x88, s3;
	s6 =	simm.s32 @!p1 $0x1082;
	[sflag:s4] =	ssyncset.s32 $0xFFFFF086  }
0x25: {  	[simem:s6], [sflag:s4] =	dma.local [hbm:s3], $0xF7A  }
0x26: {  	[smem:$0x3F9B] =	sst s1;
	(tag) =	ssettag s2;
	_ =	strace s9  }
0x27: {  	s1 =	sld [smem:$0x3FAB]  }
0x28: {  	s2 =	sld [smem:$0x3FAC]  }
0x29: {  	s4 =	sld [smem:$0x3FAE]  }
0x2a: {  	p0 =	seq.s32 s5, $0x0;
	s5 =	sld [smem:$0x3FAF]  }
0x2b: {  	s6 =	sld [smem:$0x3FB0]  }
0x2c: {  	s7 =	sld [smem:$0x3FB1]  }
0x2d: {  	s3 =	simm.s32 $0x108;
	s8 =	sld [smem:$0x3FB2]  }
0x2e: {  	s3 =	simm.s32 @!p0 $0x1082;
	s9 =	sld [smem:$0x3FB3]  }
0x2f: {  	lr =	sadd.s32 s0, s3;
	s0 =	sld [smem:$0x3FAA]  }
0x30: {  	s3 =	sld [smem:$0x3FAD]  }
0x31: {  	[smem:$0x3FB6] =	sst s10  }
0x32: {  	s10 =	sld [smem:$0x3FB4];
	_ =	sdelay $0x3  }
0x33: {  	p0 =	seq.s32 s10, $0x1;
	s10 =	sld [smem:$0x3FB6];
	_ =	sdelay $0x3  }
0x34: {  	[smem:$0x3FB6] =	sst s10  }
0x35: {  	s10 =	sld [smem:$0x3FB5];
	_ =	sdelay $0x3  }
0x36: {  	p1 =	seq.s32 s10, $0x1;
	s10 =	sld [smem:$0x3FB6];
	_ =	sdelay $0x3  }
0x37: {  	[smem:$0x3FB6] =	sst s10  }
0x38: {  	s10 =	sld [smem:$0x3FB7]  }
0x39: {  	_ = 	snop;
	(pc) =	sbr.ind lr, $3  }
0x3a: {  	_ = 	snop  }
0x3b: {  	_ = 	snop  }
0x3c: {  	p2 =	seq.s32 s10, $0x1;
	s10 =	sld [smem:$0x3FB6]  }
0x3d: {  	_ =	shalt  }
0x3e: {  	_ =	shalt  }
0x3f: {  	_ =	shalt  }
0x40: {  	_ =	shalt  }
0x41: {  	_ =	shalt  }
0x42: {  	_ =	shalt  }
0x43: {  	_ =	shalt  }
0x44: {  	_ =	shalt  }
0x45: {  	_ =	shalt  }
0x46: {  	_ =	shalt  }
0x47: {  	_ =	shalt  }
0x48: {  	_ =	shalt  }
0x49: {  	_ =	shalt  }
0x4a: {  	_ =	shalt  }
0x4b: {  	_ =	shalt  }
0x4c: {  	_ =	shalt  }
0x4d: {  	_ =	shalt  }
0x4e: {  	_ =	shalt  }
0x4f: {  	_ =	shalt  }
0x50: {  	_ =	shalt  }
0x51: {  	_ =	shalt  }
0x52: {  	_ =	shalt  }
0x53: {  	_ =	shalt  }
0x54: {  	_ =	shalt  }
0x55: {  	_ =	shalt  }
0x56: {  	_ =	shalt  }
0x57: {  	_ =	shalt  }
0x58: {  	_ =	shalt  }
0x59: {  	_ =	shalt  }
0x5a: {  	_ =	shalt  }
0x5b: {  	_ =	shalt  }
0x5c: {  	_ =	shalt  }
0x5d: {  	_ =	shalt  }
0x5e: {  	_ =	shalt  }
0x5f: {  	_ =	shalt  }
0x60: {  	_ =	shalt  }
0x61: {  	_ =	shalt  }
0x62: {  	_ =	shalt  }
0x63: {  	_ =	shalt  }
0x64: {  	_ =	shalt  }
0x65: {  	_ =	shalt  }
0x66: {  	_ =	shalt  }
0x67: {  	_ =	shalt  }
0x68: {  	_ =	shalt  }
0x69: {  	_ =	shalt  }
0x6a: {  	_ =	shalt  }
0x6b: {  	_ =	shalt  }
0x6c: {  	_ =	shalt  }
0x6d: {  	_ =	shalt  }
0x6e: {  	_ =	shalt  }
0x6f: {  	_ =	shalt  }
0x70: {  	_ =	shalt  }
0x71: {  	_ =	shalt  }
0x72: {  	_ =	shalt  }
0x73: {  	_ =	shalt  }
0x74: {  	_ =	shalt  }
0x75: {  	_ =	shalt  }
0x76: {  	_ =	shalt  }
0x77: {  	_ =	shalt  }
0x78: {  	_ =	shalt  }
0x79: {  	_ =	shalt  }
0x7a: {  	_ =	shalt  }
0x7b: {  	_ =	shalt  }
0x7c: {  	_ =	shalt  }
0x7d: {  	_ =	shalt  }
0x7e: {  	_ =	shalt  }
0x7f: {  	_ =	shalt  }
0x80: {  	_ =	shalt  }
0x81: {  	_ =	shalt  }
0x82: {  	_ =	shalt  }
0x83: {  	_ =	shalt  }
0x84: {  	_ =	shalt  }
0x85: {  	_ =	shalt  }
0x86: {  	_ =	shalt  }
0x87: {  	_ =	shalt  }
.Lfunc_end0:
.L_simem_size_0:
called_computation_lowered:
.L_overlay_start_0:
0x88: {  	s2 =	sld [smem:$0x3FD9]  }
0x89: {  	s3 =	sld [smem:$0x3FFE];
	_ =	sdelay $0x1  }
0x8a: {  	s1 =	srdreg.scid  }
0x8b: {  	s0 =	sand.u32 $0x1, s1  }
0x8c: {  	s17 =	sshll.u32 s0, $0xA;
	s2 =	sadd.s32 s3, s2  }
0x8d: {  	s2 =	sadd.s32 s2, s17  }
0x8e: {  	[smem:$0x3FC2] =	sst s2  }
0x8f: {  	_ = 	snop  }
0x90: {  	s2 =	sld [smem:$0x3FD0];
	(tm) =	ssettm $0x1  }
0x91: {  	s18 =	sld [smem:$0x3FFB];
	_ =	sdelay $0x3  }
0x92: {  	_ =	strace s18  }
0x93: {  	s3 =	sld [smem:$0x3FFC];
	_ =	sdelay $0x3  }
0x94: {  	_ =	strace s3  }
0x95: {  	s3 =	sld [smem:$0x3FFD];
	_ =	sdelay $0x3  }
0x96: {  	_ =	strace s3  }
0x97: {  	_ =	strace $0x8FFFFFFF  }
0x98: {  	s19 =	sld [smem:$0x3FDB];
	_ =	sdelay $0x1  }
0x99: {  	s4 =	simm.s32 $_scs_section_size  }
0x9a: {  	s5 =	simm.s32 $_size__tile_overlayer_lowered;
	s6 =	simm.s32 $_tile_overlayer_lowered  }
0x9b: {  	s22 =	simm.s32 $0x1BFF;
	s21 =	sshll.u32 s6, $0x1;
	s3 =	sadd.s32 s4, s19  }
0x9c: {  	s7 =	simm.s32 $0x0;
	s20 =	sshll.u32 s5, $0x1;
	s5 =	sadd.s32 s21, s3  }
0x9d: {  	[timem:s7], [sflag:s22] =	dma.local [hbm:s5], s20  }
0x9e: {  	_ =	swait.ge [sflag:s22], s20  }
0x9f: {  	s4 =	ssub.s32 $0x0, s20;
	[sflag:s22] =	ssyncset.done $0x0  }
0xa0: {  	[sflag:s22] =	ssyncadd.s32 s4;
	_ =	sdelay $0x1  }
0xa1: {  	s23 =	simm.s32 $0x1B8B  }
0xa2: {  	_ =	swait.ge [sflag:s23], $0x1  }
0xa3: {  	[sflag:s23] =	ssyncset.done $0x0  }
0xa4: {  	s25 =	simm.s32 $0x1B8E;
	s24 =	sld [smem:$0x3FFE];
	[sflag:s23] =	ssyncadd.s32 $0xFFFFFFFF  }
0xa5: {  	s26 =	simm.s32 $execute0_lowered;
	[smem:$0x3FD2] =	sst s25  }
0xa6: {  	s5 =	sshll.u32 s26, $0x1;
	_ =	strace $0x80000046;
	[dreg:$0x1] =	wrdreg $0xFFFFFFFF  }
0xa7: {  	s28 =	simm.s32 $_size_execute0_lowered;
	s3 =	sadd.s32 s3, s5;
	[dreg:$0x0] =	wrdreg $0x0  }
0xa8: {  	s5 =	sshll.u32 s28, $0x1;
	[dreg:$0x2] =	wrdreg s3  }
0xa9: {  	[dreg:$0x3] =	wrdreg s5  }
0xaa: {  	[dreg:$0x4] =	wrdreg $0xC0  }
0xab: {  	_ =	task [dreg:s7], $0x5FFFF  }
0xac: {  	[dreg:$0x1] =	wrdreg $0xFFFFFFFF  }
0xad: {  	[dreg:$0x0] =	wrdreg $0x60  }
0xae: {  	[dreg:$0x2] =	wrdreg s24  }
0xaf: {  	[dreg:$0x3] =	wrdreg s2  }
0xb0: {  	[dreg:$0x4] =	wrdreg $0x9  }
0xb1: {  	_ =	task.clear_ibuf [dreg:s7], $0x5FFFF;
	_ =	strace $0x90000046  }
0xb2: {  	s29 =	simm.s32 $0x9;
	_ =	strace $0x80000048  }
0xb3: {  	_ =	swait.ge [sflag:s29], $0x1  }
0xb4: {  	[sflag:s29] =	ssyncadd.s32 $0xFFFFFFFF  }
0xb5: {  	_ =	strace $0x90000048  }
0xb6: {  	_ =	sfence  }
0xb7: {  	s30 =	sld [smem:$0x0];
	_ =	sdelay $0x2  }
0xb8: {  	s31 =	sshll.u32 s1, $0xD;
	s1 =	sshrl.u32 s1, $0x2  }
0xb9: {  	s3 =	sand.u32 $0x4000, s31;
	s1 =	sadd.s32 s1, s30  }
0xba: {  	s0 =	sor.u32 s3, s0;
	s1 =	sshll.u32 s1, $0x11  }
0xbb: {  	s0 =	sor.u32 s1, s0  }
0xbc: {  	s0 =	sadd.s32 $0x8F2B, s0  }
0xbd: {  	[sflag:s0] =	ssyncadd.remote.s32 $0x1  }
0xbe: {  	_ =	sfence.sel $0xFFFF  }
0xbf: {  	[dreg:$0x0] =	wrdreg $0xFFFFFFFF;
	(pc) =	sbr.abs _section_cstart, $3  }
0xc0: {  	[dreg:$0x1] =	wrdreg $0xFFFFFFFF  }
0xc1: {  	_ =	task.clear_ibuf [dreg:s7], $0x2FFFF;
	_ =	strace $0x9FFFFFFF  }
0xc2: {  	(tm) =	ssettm $0x7FFFFFFF  }
0xc3: {  	_ =	shalt  }
tec
execute0_lowered:
.L_overlay_start_1:
0x0: {  	(tag) =	ssettag $0x1  }
0x1: {  	s1 =	srdreg.scid  }
0x2: {  	s0 =	stileid.u32;
	s6 =	rddreg [dreg:$0x0]  }
0x3: {  	s4 =	rddreg [dreg:$0x1];
	s18 =	simm.s32 $0x880;
	s19 =	simm.s32 $0x1080  }
0x4: {  	s20 =	simm.s32 $0x1880;
	s22 =	simm.s32 $0x2080;
	s23 =	simm.s32 $0x2880  }
0x5: {  	s7 =	simm.s32 $0x3080;
	s24 =	simm.s32 $0x3880;
	s8 =	simm.s32 $0x4080  }
0x6: {  	s25 =	simm.s32 $0x4880;
	s26 =	simm.s32 $0x5080;
	s1 =	sand.u32 $0x1, s1  }
0x7: {  	s9 =	simm.s32 $0x80;
	s2 =	sshll.u32 s0, $0x7;
	s3 =	sshll.u32 s1, $0x6  }
0x8: {  	s11 =	simm.s32 $0x6080;
	s3 =	sor.u32 s3, s2;
	s2 =	simm.s32 $0x0  }
0x9: {  	s12 =	simm.s32 $0x6880;
	s13 =	simm.s32 $0x7080;
	[smem:$0x7FF] =	sst s2  }
0xa: {  	s14 =	simm.s32 $0x7880;
	_ =	strace $0x80000047;
	[dreg:$0x5] =	wrdreg s18  }
0xb: {  	s15 =	simm.s32 $0x8080;
	s16 =	simm.s32 $0x8880;
	[dreg:$0x6] =	wrdreg s19  }
0xc: {  	s17 =	simm.s32 $0x9080;
	s28 =	simm.s32 $0xE080;
	[dreg:$0x7] =	wrdreg s20  }
0xd: {  	s29 =	simm.s32 $0xE880;
	s30 =	simm.s32 $0xF080;
	[dreg:$0x8] =	wrdreg s22  }
0xe: {  	s31 =	simm.s32 $0xF880;
	s1 =	ssub.s32 $0x2, s1;
	[dreg:$0x9] =	wrdreg s23  }
0xf: {  	s21 =	sshrl.u32 s1, $0x1;
	s5 =	sshrl.u32 s3, $0x3;
	[dreg:$0xa] =	wrdreg s7  }
0x10: {  	s3 =	sshll.u32 s3, $0x7;
	s1 =	ssub.s32 s1, s21;
	[dreg:$0xb] =	wrdreg s24  }
0x11: {  	s21 =	simm.s32 $0xB080;
	s5 =	sadd.s32 s5, s6;
	[dreg:$0xc] =	wrdreg s8  }
0x12: {  	s3 =	sadd.s32 s4, s3;
	s4 =	sadd.s32 $0x900, s6;
	[dreg:$0xd] =	wrdreg s25  }
0x13: {  	s7 =	smax.u32 s1, $0x1;
	s8 =	simm.s32 $0x2;
	[dreg:$0xe] =	wrdreg s26  }
0x14: {  	s18 =	simm.s32 $0x9880;
	s19 =	simm.s32 $0xA080;
	s20 =	simm.s32 $0xA880  }
0x15: {  	s22 =	simm.s32 $0xB880;
	s23 =	simm.s32 $0xC080;
	s24 =	simm.s32 $0xC880  }
0x16: {  	v2 =	vlaneseq.u32;
	s25 =	simm.s32 $0xD080;
	s26 =	simm.s32 $0xD880;
	s1 =	simm.s32 $0x1  }
0x17: {  	vm0 =	vmmov $0xffff;
	v1 =	vshrl.u32 v2, $0x3;
	s5 =	sadd.s32 $0x600, s5;
	[dreg:$0x4] =	wrdreg s3;
	s3 =	sadd.s32 $0x800, s6  }
0x18: {  	v0 =	vand.u32 $0x7, v2;
	v2 =	vor.u32 $0x8, v2;
	v1 =	vmul.u32 $0x8, v1;
	[dreg:$0x3] =	wrdreg s5;
	s5 =	sadd.s32 $0xA00, s6;
	s6 =	sadd.s32 $0xB00, s6  }
.LBB2_1:
0x19: {  	s0 =	rddreg [dreg:$0x3]  }
0x1a: {  	[tilespmem:s2], [sflag:$0x2] =	stream.linear.gather [hbm4b:s0+s2], $0x40, $0x38;
	[tilespmem:$0x10080] =	vst v63  }
0x1b: {  	_ =	swait.ge [sflag:s8], $0x40  }
0x1c: {  	[sflag:s8] =	ssyncset.done $0x0  }
0x1d: {  	s10 =	rddreg [dreg:$0x4];
	[sflag:s8] =	ssyncadd.s32 $0xFFFFFFC0  }
0x1e: {  	[tilespmem:s9], [sflag:$0x2] =	stream.linear.gather [hbm4b:s10+s2], $0x10000, $0x38;
	[tilespmem:$0x10080] =	vst v63  }
0x1f: {  	_ =	swait.ge [sflag:s8], $0x10000  }
0x20: {  	[sflag:s8] =	ssyncset.done $0x0  }
0x21: {  	[sflag:s8] =	ssyncadd.s32 $0xFFFF0000  }
0x22: {  	v3 =	vld [tilespmem:$0x0];
	_ =	sdelay $0x4  }
0x23: {  	v4 =	vshll.u32 v3, $0x3  }
0x24: {  	v3 =	vand.u32 $0x7, v3;
	v4 =	vand.u32 $0xFFFFFFC0, v4  }
0x25: {  	v3 =	vor.u32 v3, v4  }
0x26: {  	v4 =	vperm.xlane v3, v0;
	_ =	sdelay $0x1  }
0x27: {  	v4 =	vadd.s32 v1, v4;
	_ =	sdelay $0x4  }
0x28: {  	[hbm4b:s3+s2] =	stream.indirect_vreg.scatter [tilespmem:s9], [sflag:$0x1], $0x80, v4, vm0, $0xb8;
	[tilespmem:$0x10080] =	vst v63  }
0x29: {  	s0 =	rddreg [dreg:$0x5];
	v3 =	vperm.xlane v3, v2  }
0x2a: {  	[hbm4b:s4+s2] =	stream.indirect_vreg.scatter [tilespmem:s0], [sflag:$0x1], $0x80, v4, vm0, $0xb8;
	[tilespmem:$0x10080] =	vst v63  }
0x2b: {  	s10 =	rddreg [dreg:$0x6];
	v3 =	vadd.s32 v1, v3  }
0x2c: {  	[hbm4b:s5+s2] =	stream.indirect_vreg.scatter [tilespmem:s10], [sflag:$0x1], $0x80, v4, vm0, $0xb8;
	[tilespmem:$0x10080] =	vst v63  }
0x2d: {  	s0 =	rddreg [dreg:$0x7]  }
0x2e: {  	[hbm4b:s6+s2] =	stream.indirect_vreg.scatter [tilespmem:s0], [sflag:$0x1], $0x80, v4, vm0, $0xb8;
	[tilespmem:$0x10080] =	vst v63  }
0x2f: {  	s10 =	rddreg [dreg:$0x8]  }
0x30: {  	[hbm4b:s3+s2] =	stream.indirect_vreg.scatter [tilespmem:s10], [sflag:$0x1], $0x80, v3, vm0, $0xb8;
	[tilespmem:$0x10080] =	vst v63  }
0x31: {  	s0 =	rddreg [dreg:$0x9]  }
0x32: {  	[hbm4b:s4+s2] =	stream.indirect_vreg.scatter [tilespmem:s0], [sflag:$0x1], $0x80, v3, vm0, $0xb8;
	[tilespmem:$0x10080] =	vst v63  }
0x33: {  	s10 =	rddreg [dreg:$0xa]  }
0x34: {  	[hbm4b:s5+s2] =	stream.indirect_vreg.scatter [tilespmem:s10], [sflag:$0x1], $0x80, v3, vm0, $0xb8;
	[tilespmem:$0x10080] =	vst v63  }
0x35: {  	s0 =	rddreg [dreg:$0xb]  }
0x36: {  	[hbm4b:s6+s2] =	stream.indirect_vreg.scatter [tilespmem:s0], [sflag:$0x1], $0x80, v3, vm0, $0xb8;
	[tilespmem:$0x10080] =	vst v63  }
0x37: {  	v3 =	vld [tilespmem:$0x10];
	_ =	sdelay $0x4  }
0x38: {  	v61 =	vshll.u32 v3, $0x3  }
0x39: {  	v3 =	vand.u32 $0x7, v3;
	v4 =	vand.u32 $0xFFFFFFC0, v61  }
0x3a: {  	v3 =	vor.u32 v3, v4  }
0x3b: {  	v4 =	vperm.xlane v3, v0;
	_ =	sdelay $0x1  }
0x3c: {  	v4 =	vadd.s32 v1, v4;
	_ =	sdelay $0x3  }
0x3d: {  	s0 =	rddreg [dreg:$0xc]  }
0x3e: {  	[hbm4b:s3+s2] =	stream.indirect_vreg.scatter [tilespmem:s0], [sflag:$0x1], $0x80, v4, vm0, $0xb8;
	[tilespmem:$0x10080] =	vst v63  }
0x3f: {  	s10 =	rddreg [dreg:$0xd];
	v3 =	vperm.xlane v3, v2  }
0x40: {  	[hbm4b:s4+s2] =	stream.indirect_vreg.scatter [tilespmem:s10], [sflag:$0x1], $0x80, v4, vm0, $0xb8;
	[tilespmem:$0x10080] =	vst v63  }
0x41: {  	v3 =	vadd.s32 v1, v3;
	s0 =	rddreg [dreg:$0xe]  }
0x42: {  	[hbm4b:s5+s2] =	stream.indirect_vreg.scatter [tilespmem:s0], [sflag:$0x1], $0x80, v4, vm0, $0xb8;
	[tilespmem:$0x10080] =	vst v63  }
0x43: {  	s10 =	simm.s32 $0x5880  }
0x44: {  	[hbm4b:s6+s2] =	stream.indirect_vreg.scatter [tilespmem:s10], [sflag:$0x1], $0x80, v4, vm0, $0xb8;
	[tilespmem:$0x10080] =	vst v63  }
0x45: {  	_ = 	snop  }
0x46: {  	[hbm4b:s3+s2] =	stream.indirect_vreg.scatter [tilespmem:s11], [sflag:$0x1], $0x80, v3, vm0, $0xb8;
	[tilespmem:$0x10080] =	vst v63  }
0x47: {  	_ = 	snop  }
0x48: {  	[hbm4b:s4+s2] =	stream.indirect_vreg.scatter [tilespmem:s12], [sflag:$0x1], $0x80, v3, vm0, $0xb8;
	[tilespmem:$0x10080] =	vst v63  }
0x49: {  	_ = 	snop  }
0x4a: {  	[hbm4b:s5+s2] =	stream.indirect_vreg.scatter [tilespmem:s13], [sflag:$0x1], $0x80, v3, vm0, $0xb8;
	[tilespmem:$0x10080] =	vst v63  }
0x4b: {  	_ = 	snop  }
0x4c: {  	[hbm4b:s6+s2] =	stream.indirect_vreg.scatter [tilespmem:s14], [sflag:$0x1], $0x80, v3, vm0, $0xb8;
	[tilespmem:$0x10080] =	vst v63  }
0x4d: {  	v3 =	vld [tilespmem:$0x20];
	_ =	sdelay $0x4  }
0x4e: {  	v62 =	vshll.u32 v3, $0x3  }
0x4f: {  	v3 =	vand.u32 $0x7, v3;
	v4 =	vand.u32 $0xFFFFFFC0, v62  }
0x50: {  	v3 =	vor.u32 v3, v4  }
0x51: {  	v4 =	vperm.xlane v3, v0;
	_ =	sdelay $0x1  }
0x52: {  	v4 =	vadd.s32 v1, v4;
	_ =	sdelay $0x4  }
0x53: {  	[hbm4b:s3+s2] =	stream.indirect_vreg.scatter [tilespmem:s15], [sflag:$0x1], $0x80, v4, vm0, $0xb8;
	[tilespmem:$0x10080] =	vst v63  }
0x54: {  	v3 =	vperm.xlane v3, v2  }
0x55: {  	[hbm4b:s4+s2] =	stream.indirect_vreg.scatter [tilespmem:s16], [sflag:$0x1], $0x80, v4, vm0, $0xb8;
	[tilespmem:$0x10080] =	vst v63  }
0x56: {  	v3 =	vadd.s32 v1, v3  }
0x57: {  	[hbm4b:s5+s2] =	stream.indirect_vreg.scatter [tilespmem:s17], [sflag:$0x1], $0x80, v4, vm0, $0xb8;
	[tilespmem:$0x10080] =	vst v63  }
0x58: {  	_ = 	snop  }
0x59: {  	[hbm4b:s6+s2] =	stream.indirect_vreg.scatter [tilespmem:s18], [sflag:$0x1], $0x80, v4, vm0, $0xb8;
	[tilespmem:$0x10080] =	vst v63  }
0x5a: {  	_ = 	snop  }
0x5b: {  	[hbm4b:s3+s2] =	stream.indirect_vreg.scatter [tilespmem:s19], [sflag:$0x1], $0x80, v3, vm0, $0xb8;
	[tilespmem:$0x10080] =	vst v63  }
0x5c: {  	_ = 	snop  }
0x5d: {  	[hbm4b:s4+s2] =	stream.indirect_vreg.scatter [tilespmem:s20], [sflag:$0x1], $0x80, v3, vm0, $0xb8;
	[tilespmem:$0x10080] =	vst v63  }
0x5e: {  	_ = 	snop  }
0x5f: {  	[hbm4b:s5+s2] =	stream.indirect_vreg.scatter [tilespmem:s21], [sflag:$0x1], $0x80, v3, vm0, $0xb8;
	[tilespmem:$0x10080] =	vst v63  }
0x60: {  	_ = 	snop  }
0x61: {  	[hbm4b:s6+s2] =	stream.indirect_vreg.scatter [tilespmem:s22], [sflag:$0x1], $0x80, v3, vm0, $0xb8;
	[tilespmem:$0x10080] =	vst v63  }
0x62: {  	v3 =	vld [tilespmem:$0x30];
	_ =	sdelay $0x4  }
0x63: {  	v63 =	vshll.u32 v3, $0x3  }
0x64: {  	v3 =	vand.u32 $0x7, v3;
	v4 =	vand.u32 $0xFFFFFFC0, v63  }
0x65: {  	v3 =	vor.u32 v3, v4  }
0x66: {  	v4 =	vperm.xlane v3, v0;
	_ =	sdelay $0x1  }
0x67: {  	v4 =	vadd.s32 v1, v4;
	_ =	sdelay $0x4  }
0x68: {  	[hbm4b:s3+s2] =	stream.indirect_vreg.scatter [tilespmem:s23], [sflag:$0x1], $0x80, v4, vm0, $0xb8;
	[tilespmem:$0x10080] =	vst v63  }
0x69: {  	v3 =	vperm.xlane v3, v2  }
0x6a: {  	[hbm4b:s4+s2] =	stream.indirect_vreg.scatter [tilespmem:s24], [sflag:$0x1], $0x80, v4, vm0, $0xb8;
	[tilespmem:$0x10080] =	vst v63  }
0x6b: {  	v3 =	vadd.s32 v1, v3  }
0x6c: {  	[hbm4b:s5+s2] =	stream.indirect_vreg.scatter [tilespmem:s25], [sflag:$0x1], $0x80, v4, vm0, $0xb8;
	[tilespmem:$0x10080] =	vst v63  }
0x6d: {  	_ = 	snop  }
0x6e: {  	[hbm4b:s6+s2] =	stream.indirect_vreg.scatter [tilespmem:s26], [sflag:$0x1], $0x80, v4, vm0, $0xb8;
	[tilespmem:$0x10080] =	vst v63  }
0x6f: {  	_ = 	snop  }
0x70: {  	[hbm4b:s3+s2] =	stream.indirect_vreg.scatter [tilespmem:s28], [sflag:$0x1], $0x80, v3, vm0, $0xb8;
	[tilespmem:$0x10080] =	vst v63  }
0x71: {  	_ = 	snop  }
0x72: {  	[hbm4b:s4+s2] =	stream.indirect_vreg.scatter [tilespmem:s29], [sflag:$0x1], $0x80, v3, vm0, $0xb8;
	[tilespmem:$0x10080] =	vst v63  }
0x73: {  	p0 =	sne.s32 s7, $0x1  }
0x74: {  	[hbm4b:s5+s2] =	stream.indirect_vreg.scatter [tilespmem:s30], [sflag:$0x1], $0x80, v3, vm0, $0xb8;
	[tilespmem:$0x10080] =	vst v63  }
.Ltmp0:
0x75: {  	_ = 	snop;
	(pc) =	sbr.rel @p0 .LBB2_1-.Ltmp0, $4  }
0x76: {  	[hbm4b:s6+s2] =	stream.indirect_vreg.scatter [tilespmem:s31], [sflag:$0x1], $0x80, v3, vm0, $0xb8;
	[tilespmem:$0x10080] =	vst v63  }
0x77: {  	_ =	swait.ge [sflag:s1], $0x10000  }
0x78: {  	[sflag:s1] =	ssyncset.done $0x0  }
0x79: {  	s7 =	sadd.s32 $0xFFFFFFFF, s7;
	[sflag:s1] =	ssyncadd.s32 $0xFFFF0000  }
0x7a: {  	_ =	sfence.sel $0x180000  }
0x7b: {  	[bflag:$0x0] =	sbarrier.arrive $0xFFFF  }
0x7c: {  	_ =	strace $0x90000047  }
0x7d: {  	s0 =	stileid.u32;
	[bflag:$0x2] =	sbarrier.arrive $0xFFFF  }
0x7e: {  	p0 =	sne.s32 s0, $0x0;
	s0 =	rddreg [dreg:$0x2]  }
0x7f: {  	s0 =	sadd.s32 @!p0 $0x100000, s0  }
0x80: {  	[sflag:s0] =	ssyncadd.tile.s32 @!p0 $0x1;
	_ =	shalt  }
.Lfunc_end2:
_tile_overlayer_lowered:
.L_overlay_start_2:
0x81: {  	(tag) =	ssettag $0x2  }
0x82: {  	s0 =	rddreg [dreg:$0x0];
	s2 =	stileid.u32  }
0x83: {  	s1 =	rddreg [dreg:$0x1];
	p0 =	sne.s32 s2, $0x0  }
0x84: {  	s3 =	rddreg [dreg:$0x2];
	[bflag:$0x3] =	sbarrier.arrive $0xFFFF;
	s2 =	simm.s32 @!p0 $0x1C02  }
0x85: {  	[timem:s3], [sflag:s2] =	dma.local @!p0 [hbm:s0], s1  }
0x86: {  	s0 =	simm.s32 @!p0 $0x2  }
0x87: {  	_ =	swait.ge @!p0 [sflag:s0], s1  }
0x88: {  	s1 =	ssub.s32 @!p0 $0x0, s1;
	[sflag:s0] =	ssyncset.done @!p0 $0x0  }
0x89: {  	[sflag:s0] =	ssyncadd.s32 @!p0 s1  }
0x8a: {  	[bflag:$0x3] =	sbarrier.arrive $0xFFFF  }
0x8b: {  	_ =	shalt  }

</sc_bundles>
